<compile_context>
chip_gen: v7x
topology: tpu7x:2x2x1
jax: 0.10.2.dev20260603
libtpu: 0.0.44.dev20260713+nightly
codegen_flags: <defaults>
</compile_context>

<pallas_src>
import functools

import jax
import jax.numpy as jnp
from jax import lax
from jax.experimental import pallas as pl
from jax.experimental.pallas import tpu as pltpu
from jax.experimental.pallas import tpu_sc as plsc

N = 10000
E = 320000
D = 128
OUT = 128
G = 64
STEPS = 3

NC = 2
NS = 16
NW = NC * NS
K = 128
NCHUNK = 80
EPW = NCHUNK * K
EPAD = NW * EPW
NRCZ = -(-N // K) + 1
AGGR = NRCZ * K
RB = 80
NRC = N // RB
RC_PER_TILE = -(-NRC // NS)
ZR = 16

ROWS_B = 1000
NBLK = N // ROWS_B


_sc_mesh = plsc.VectorSubcoreMesh(core_axis_name="c", subcore_axis_name="s")


@functools.partial(
    pl.kernel,
    out_type=jax.ShapeDtypeStruct((NC * N, D), jnp.float32),
    mesh=_sc_mesh,
    scratch_types=[
        pltpu.VMEM((EPW,), jnp.int32),
        pltpu.VMEM((K,), jnp.int32),
        pltpu.VMEM((K,), jnp.int32),
        pltpu.VMEM((K, D), jnp.float32),
        pltpu.VMEM((K, D), jnp.float32),
        pltpu.VMEM((ZR, D), jnp.float32),
        pltpu.VMEM_SHARED((AGGR, D), jnp.float32),
        pltpu.SemaphoreType.DMA,
        pltpu.SemaphoreType.DMA,
        pltpu.SemaphoreType.DMA,
        pltpu.SemaphoreType.DMA,
    ],
)
def _sc_gather_segsum(msg_hbm, src_hbm, dst_hbm, out_hbm,
                      src_all, dst_c0, dst_c1, rows0, rows1, zbuf, agg_sh,
                      semd0, semd1, semg0, semg1):
    c = lax.axis_index("c")
    s = lax.axis_index("s")
    wid = s * NC + c
    base_w = pl.multiple_of(wid * EPW, EPW)

    pltpu.sync_copy(src_hbm.at[pl.ds(base_w, EPW)], src_all)

    def _issue(i, dst_c, rows, semd, semg):
        pltpu.async_copy(dst_hbm.at[pl.ds(base_w + pl.multiple_of(i * K, K), K)],
                         dst_c, semd)
        idx = src_all.at[pl.ds(pl.multiple_of(i * K, K), K)]
        pltpu.async_copy(msg_hbm.at[idx], rows, semg)

    def _drain_scatter(dst_c, rows, semd, semg):
        pltpu.make_async_copy(dst_hbm.at[pl.ds(0, K)], dst_c, semd).wait()
        pltpu.make_async_copy(msg_hbm.at[pl.ds(0, K)], rows, semg).wait()
        pltpu.sync_copy(rows, agg_sh.at[dst_c], add=True)

    _issue(0, dst_c0, rows0, semd0, semg0)
    _issue(1, dst_c1, rows1, semd1, semg1)

    zeros16 = jnp.zeros((16,), jnp.float32)

    def _zero_row(r, carry):
        for j in range(D // 16):
            zbuf[r, pl.ds(j * 16, 16)] = zeros16
        return carry

    lax.fori_loop(0, ZR, _zero_row, 0)

    def _zero_chunk(t, carry):
        j = s + t * NS
        pltpu.sync_copy(zbuf, agg_sh.at[pl.ds(pl.multiple_of(j * ZR, ZR), ZR)])
        return carry

    lax.fori_loop(0, (AGGR // ZR) // NS, _zero_chunk, 0)
    plsc.subcore_barrier()

    def _edge_pair(t, carry):
        _drain_scatter(dst_c0, rows0, semd0, semg0)
        _issue(2 * t + 2, dst_c0, rows0, semd0, semg0)
        _drain_scatter(dst_c1, rows1, semd1, semg1)
        _issue(2 * t + 3, dst_c1, rows1, semd1, semg1)
        return carry

    lax.fori_loop(0, NCHUNK // 2 - 1, _edge_pair, 0)
    _drain_scatter(dst_c0, rows0, semd0, semg0)
    _drain_scatter(dst_c1, rows1, semd1, semg1)
    plsc.subcore_barrier()

    def _write_chunk(t, carry):
        j = s + t * NS

        @pl.when(j < NRC)
        def _():
            base = pl.multiple_of(j * RB, RB)
            pltpu.sync_copy(agg_sh.at[pl.ds(base, RB)],
                            out_hbm.at[pl.ds(pl.multiple_of(c * N, RB) + base, RB)])

        return carry

    lax.fori_loop(0, RC_PER_TILE, _write_chunk, 0)


def _tc_a_body(x_ref, w_ref, im_ref, msg_ref):
    im = lax.dot_general(x_ref[...], w_ref[...], (((1,), (1,)), ((), ())),
                         preferred_element_type=jnp.float32)
    im_ref[...] = im
    msg_ref[...] = jnp.maximum(im, 0.0)


_tc_a = pl.pallas_call(
    _tc_a_body,
    grid=(NBLK,),
    in_specs=[
        pl.BlockSpec((ROWS_B, D), lambda i: (i, 0)),
        pl.BlockSpec((OUT, D), lambda i: (0, 0)),
    ],
    out_specs=[
        pl.BlockSpec((ROWS_B, OUT), lambda i: (i, 0)),
        pl.BlockSpec((ROWS_B, OUT), lambda i: (i, 0)),
    ],
    out_shape=[
        jax.ShapeDtypeStruct((N, OUT), jnp.float32),
        jax.ShapeDtypeStruct((N, OUT), jnp.float32),
    ],
)


def _tc_b_body(im_ref, a_ref, b_ref, w_ref, msg_ref):
    agg = a_ref[...] + b_ref[...]
    y = lax.dot_general(agg, w_ref[...], (((1,), (1,)), ((), ())),
                        preferred_element_type=jnp.float32)
    msg_ref[...] = jnp.maximum(im_ref[...] + y, 0.0)


_tc_b = pl.pallas_call(
    _tc_b_body,
    grid=(NBLK,),
    in_specs=[
        pl.BlockSpec((ROWS_B, OUT), lambda i: (i, 0)),
        pl.BlockSpec((ROWS_B, OUT), lambda i: (i, 0)),
        pl.BlockSpec((ROWS_B, OUT), lambda i: (i, 0)),
        pl.BlockSpec((OUT, OUT), lambda i: (0, 0)),
    ],
    out_specs=pl.BlockSpec((ROWS_B, OUT), lambda i: (i, 0)),
    out_shape=jax.ShapeDtypeStruct((N, OUT), jnp.float32),
)


def _tc_b_last_body(im_ref, a_ref, b_ref, w_ref, gid_ref, out_ref):
    i = pl.program_id(0)
    agg = a_ref[...] + b_ref[...]
    y = lax.dot_general(agg, w_ref[...], (((1,), (1,)), ((), ())),
                        preferred_element_type=jnp.float32)
    msg = jnp.maximum(im_ref[...] + y, 0.0)
    gid = gid_ref[0, 0, :]
    graphs = lax.broadcasted_iota(jnp.int32, (ROWS_B, G), 1)
    onehot = jnp.where(gid[:, None] == graphs, 1.0, 0.0).astype(jnp.float32)
    contrib = lax.dot_general(onehot, msg, (((0,), (0,)), ((), ())),
                              preferred_element_type=jnp.float32)

    @pl.when(i == 0)
    def _():
        out_ref[...] = jnp.zeros_like(out_ref)

    out_ref[...] += contrib


_tc_b_last = pl.pallas_call(
    _tc_b_last_body,
    grid=(NBLK,),
    in_specs=[
        pl.BlockSpec((ROWS_B, OUT), lambda i: (i, 0)),
        pl.BlockSpec((ROWS_B, OUT), lambda i: (i, 0)),
        pl.BlockSpec((ROWS_B, OUT), lambda i: (i, 0)),
        pl.BlockSpec((OUT, OUT), lambda i: (0, 0)),
        pl.BlockSpec((1, 1, ROWS_B), lambda i: (i, 0, 0)),
    ],
    out_specs=pl.BlockSpec((G, OUT), lambda i: (0, 0)),
    out_shape=jax.ShapeDtypeStruct((G, OUT), jnp.float32),
)


def kernel(node_feat, edge_index, graph_ids, W_n2l, W_rec):
    pad = jnp.arange(EPAD - E, dtype=jnp.int32)
    src = jnp.concatenate([edge_index[0], pad % N])
    dst = jnp.concatenate([edge_index[1], N + pad % (AGGR - N)])
    gid3 = graph_ids.reshape(NBLK, 1, ROWS_B)

    im, msg = _tc_a(node_feat, W_n2l)
    for step in range(STEPS):
        parts = _sc_gather_segsum(msg, src, dst)
        agg_a = parts[:N]
        agg_b = parts[N:]
        if step < STEPS - 1:
            msg = _tc_b(im, agg_a, agg_b, W_rec)
        else:
            out = _tc_b_last(im, agg_a, agg_b, W_rec, gid3)
    return out

# --- scband reference (transcript-rebuilt; emitter-appended) ---
"""Pipeline reference for scband-mean-field-inference-54528904790122 (READ-ONLY COPY).

The authoritative reference and input builder live on the scoring server;
editing this copy changes nothing except your own understanding.
"""

import jax, jax.numpy as jnp
import numpy as np

N = 10000
E = 320000
D = 128
OUT = 128
G = 64
STEPS = 3

def setup_inputs(seed: int = 0) -> dict:
    key = jax.random.key(seed)
    k1, k2, k3, k4, k5 = jax.random.split(key, 5)
    node_feat = jax.random.normal(k1, (N, D), dtype=jnp.float32)
    edge_index = jax.random.randint(k2, (2, E), 0, N, dtype=jnp.int32)
    graph_ids = jnp.sort(jax.random.randint(k3, (N,), 0, G, dtype=jnp.int32))
    W_n2l = jax.random.normal(k4, (OUT, D), dtype=jnp.float32) * 0.05
    W_rec = jax.random.normal(k5, (OUT, OUT), dtype=jnp.float32) * 0.05
    return {"node_feat": node_feat, "edge_index": edge_index, "graph_ids": graph_ids, "W_n2l": W_n2l, "W_rec": W_rec}

def reference(node_feat, edge_index, graph_ids, W_n2l, W_rec):
    # n2l linear (no bias)
    input_message = node_feat @ W_n2l.T
    message = jax.nn.relu(input_message)
    src = edge_index[0]
    dst = edge_index[1]
    # mean-field iterations: n2n_sp @ message == scatter-add of gathered neighbor messages
    for _ in range(STEPS):
        gathered = jnp.take(message, src, axis=0)
        agg = jax.ops.segment_sum(gathered, dst, num_segments=N)
        message = jax.nn.relu(input_message + agg @ W_rec.T)
    # reduction_sp @ message == per-graph sum over nodes
    out = jax.ops.segment_sum(message, graph_ids, num_segments=G)
    return out

if __name__ == "__main__":
    import jax
    _d = setup_inputs()
    print(jax.jit(kernel)(*tuple(_d.values())))

</pallas_src>

<mosaic_0001>
#map = affine_map<(d0, d1) -> (0, 0)>
#map1 = affine_map<(d0, d1) -> (0)>
module attributes {stable_mosaic.version = 14 : i64} {
  func.func @_sc_gather_segsum(%arg0: i32, %arg1: i32, %arg2: memref<10000x128xf32, #tpu.memory_space<hbm>>, %arg3: memref<327680xi32, #tpu.memory_space<hbm>>, %arg4: memref<327680xi32, #tpu.memory_space<hbm>>, %arg5: memref<20000x128xf32, #tpu.memory_space<hbm>>, %arg6: memref<10240xi32, #tpu.memory_space<vmem>>, %arg7: memref<128xi32, #tpu.memory_space<vmem>>, %arg8: memref<128xi32, #tpu.memory_space<vmem>>, %arg9: memref<128x128xf32, #tpu.memory_space<vmem>>, %arg10: memref<128x128xf32, #tpu.memory_space<vmem>>, %arg11: memref<16x128xf32, #tpu.memory_space<vmem>>, %arg12: memref<10240x128xf32, #tpu.memory_space<vmem_shared>>, %arg13: memref<!tpu.dma_semaphore, #tpu.memory_space<semaphore_mem>>, %arg14: memref<!tpu.dma_semaphore, #tpu.memory_space<semaphore_mem>>, %arg15: memref<!tpu.dma_semaphore, #tpu.memory_space<semaphore_mem>>, %arg16: memref<!tpu.dma_semaphore, #tpu.memory_space<semaphore_mem>>) attributes {dimension_semantics = [#tpu.dimension_semantics<core_parallel>, #tpu.dimension_semantics<subcore_parallel>], iteration_bounds = array<i64: 2, 16>, scalar_prefetch = 0 : i64, scratch_operands = 11 : i64, tpu.core_type = #tpu.core_type<sc_vector_subcore>, window_params = [{transform_indices = #map}, {transform_indices = #map1}, {transform_indices = #map1}, {transform_indices = #map}]} {
    %mul3A = arith.constant 2 : i32
    %mul3A_0 = arith.muli %arg1, %mul3A : i32
    %add3A = arith.addi %mul3A_0, %arg0 : i32
    %mul3A_1 = arith.constant 10240 : i32
    %mul3A_2 = arith.muli %add3A, %mul3A_1 : i32
    %multiple_of3A = tpu.assume_multiple %mul3A_2, 10240 : i32
    "tpu.region"() ({
      %run_scoped3A = tpu.sem_alloc : memref<!tpu.dma_semaphore, #tpu.memory_space<semaphore_mem>>
      %dma_start3A_68 = tpu.memref_slice %arg3[%multiple_of3A] : memref<327680xi32, #tpu.memory_space<hbm>> -> memref<10240xi32, #tpu.memory_space<hbm>>
      %dma_start3A_69 = tpu.memref_slice %arg3[%multiple_of3A] : memref<327680xi32, #tpu.memory_space<hbm>> -> memref<10240xi32, #tpu.memory_space<hbm>>
      tpu.enqueue_dma source(%dma_start3A_69 : memref<10240xi32, #tpu.memory_space<hbm>>) target(%arg6 : memref<10240xi32, #tpu.memory_space<vmem>>) target_semaphore(%run_scoped3A : memref<!tpu.dma_semaphore, #tpu.memory_space<semaphore_mem>>)
      %dma_wait3A_70 = tpu.memref_slice %arg3[%multiple_of3A] : memref<327680xi32, #tpu.memory_space<hbm>> -> memref<10240xi32, #tpu.memory_space<hbm>>
      %dma_wait3A_71 = tpu.memref_slice %arg3[%multiple_of3A] : memref<327680xi32, #tpu.memory_space<hbm>> -> memref<10240xi32, #tpu.memory_space<hbm>>
      tpu.wait_dma2 semaphore(%run_scoped3A : memref<!tpu.dma_semaphore, #tpu.memory_space<semaphore_mem>>) src(%dma_wait3A_71 : memref<10240xi32, #tpu.memory_space<hbm>>) dst(%arg6 : memref<10240xi32, #tpu.memory_space<vmem>>)
      tpu.yield
    }) : () -> ()
    %multiple_of3A_3 = arith.constant 0 : i32
    %multiple_of3A_4 = tpu.assume_multiple %multiple_of3A_3, 128 : i32
    %add3A_5 = arith.addi %multiple_of3A, %multiple_of3A_4 : i32
    %dma_start3A = tpu.memref_slice %arg4[%add3A_5] : memref<327680xi32, #tpu.memory_space<hbm>> -> memref<128xi32, #tpu.memory_space<hbm>>
    %dma_start3A_6 = tpu.memref_slice %arg4[%add3A_5] : memref<327680xi32, #tpu.memory_space<hbm>> -> memref<128xi32, #tpu.memory_space<hbm>>
    tpu.enqueue_dma source(%dma_start3A_6 : memref<128xi32, #tpu.memory_space<hbm>>) target(%arg7 : memref<128xi32, #tpu.memory_space<vmem>>) target_semaphore(%arg13 : memref<!tpu.dma_semaphore, #tpu.memory_space<semaphore_mem>>)
    %multiple_of3A_7 = arith.constant 0 : i32
    %multiple_of3A_8 = tpu.assume_multiple %multiple_of3A_7, 128 : i32
    %dma_start3A_9 = tpu.memref_slice %arg6[%multiple_of3A_8] : memref<10240xi32, #tpu.memory_space<vmem>> -> memref<128xi32, #tpu.memory_space<vmem>>
    %dma_start3A_10 = arith.constant 0 : i32
    %dma_start3A_11 = arith.constant 0 : i32
    %dma_start3A_12 = tpu.memref_slice %arg2[%dma_start3A_10, %dma_start3A_11] : memref<10000x128xf32, #tpu.memory_space<hbm>> -> memref<10000x128xf32, #tpu.memory_space<hbm>>
    tpu.enqueue_indirect_dma source(%dma_start3A_12 : memref<10000x128xf32, #tpu.memory_space<hbm>>) target(%arg9 : memref<128x128xf32, #tpu.memory_space<vmem>>) offsets(%dma_start3A_9 : memref<128xi32, #tpu.memory_space<vmem>>) semaphore(%arg15 : memref<!tpu.dma_semaphore, #tpu.memory_space<semaphore_mem>>)
    %multiple_of3A_13 = arith.constant 128 : i32
    %multiple_of3A_14 = tpu.assume_multiple %multiple_of3A_13, 128 : i32
    %add3A_15 = arith.addi %multiple_of3A, %multiple_of3A_14 : i32
    %dma_start3A_16 = tpu.memref_slice %arg4[%add3A_15] : memref<327680xi32, #tpu.memory_space<hbm>> -> memref<128xi32, #tpu.memory_space<hbm>>
    %dma_start3A_17 = tpu.memref_slice %arg4[%add3A_15] : memref<327680xi32, #tpu.memory_space<hbm>> -> memref<128xi32, #tpu.memory_space<hbm>>
    tpu.enqueue_dma source(%dma_start3A_17 : memref<128xi32, #tpu.memory_space<hbm>>) target(%arg8 : memref<128xi32, #tpu.memory_space<vmem>>) target_semaphore(%arg14 : memref<!tpu.dma_semaphore, #tpu.memory_space<semaphore_mem>>)
    %multiple_of3A_18 = arith.constant 128 : i32
    %multiple_of3A_19 = tpu.assume_multiple %multiple_of3A_18, 128 : i32
    %dma_start3A_20 = tpu.memref_slice %arg6[%multiple_of3A_19] : memref<10240xi32, #tpu.memory_space<vmem>> -> memref<128xi32, #tpu.memory_space<vmem>>
    %dma_start3A_21 = arith.constant 0 : i32
    %dma_start3A_22 = arith.constant 0 : i32
    %dma_start3A_23 = tpu.memref_slice %arg2[%dma_start3A_21, %dma_start3A_22] : memref<10000x128xf32, #tpu.memory_space<hbm>> -> memref<10000x128xf32, #tpu.memory_space<hbm>>
    tpu.enqueue_indirect_dma source(%dma_start3A_23 : memref<10000x128xf32, #tpu.memory_space<hbm>>) target(%arg10 : memref<128x128xf32, #tpu.memory_space<vmem>>) offsets(%dma_start3A_20 : memref<128xi32, #tpu.memory_space<vmem>>) semaphore(%arg16 : memref<!tpu.dma_semaphore, #tpu.memory_space<semaphore_mem>>)
    %broadcast_in_dim3A = arith.constant 0.000000e+00 : f32
    %broadcast_in_dim3A_24 = vector.broadcast %broadcast_in_dim3A : f32 to vector<16xf32>
    %scan3A = arith.constant 0 : i32
    %scan3A_25 = arith.constant 0 : i32
    %scan3A_26 = arith.constant 16 : i32
    %scan3A_27 = arith.addi %scan3A_25, %scan3A_26 : i32
    %scan3A_28 = arith.constant 1 : i32
    scf.for %scan3A_68 = %scan3A_25 to %scan3A_27 step %scan3A_28  : i32 {
      %swap3A = arith.index_cast %scan3A_68 : i32 to index
      %swap3A_69 = arith.constant 0 : index
      %swap3A_70 = tpu.vector_load %arg11[%swap3A, %swap3A_69] {strides = array<i32>} : memref<16x128xf32, #tpu.memory_space<vmem>>, vector<1x16xf32>,
      %swap3A_71 = vector.shape_cast %swap3A_70 : vector<1x16xf32> to vector<16xf32>
      %swap3A_72 = vector.shape_cast %broadcast_in_dim3A_24 : vector<16xf32> to vector<1x16xf32>
      tpu.vector_store %arg11[%swap3A, %swap3A_69], %swap3A_72 {strides = array<i32>} : memref<16x128xf32, #tpu.memory_space<vmem>>, vector<1x16xf32>,
      %swap3A_73 = arith.index_cast %scan3A_68 : i32 to index
      %swap3A_74 = arith.constant 16 : index
      %swap3A_75 = tpu.vector_load %arg11[%swap3A_73, %swap3A_74] {strides = array<i32>} : memref<16x128xf32, #tpu.memory_space<vmem>>, vector<1x16xf32>,
      %swap3A_76 = vector.shape_cast %swap3A_75 : vector<1x16xf32> to vector<16xf32>
      %swap3A_77 = vector.shape_cast %broadcast_in_dim3A_24 : vector<16xf32> to vector<1x16xf32>
      tpu.vector_store %arg11[%swap3A_73, %swap3A_74], %swap3A_77 {strides = array<i32>} : memref<16x128xf32, #tpu.memory_space<vmem>>, vector<1x16xf32>,
      %swap3A_78 = arith.index_cast %scan3A_68 : i32 to index
      %swap3A_79 = arith.constant 32 : index
      %swap3A_80 = tpu.vector_load %arg11[%swap3A_78, %swap3A_79] {strides = array<i32>} : memref<16x128xf32, #tpu.memory_space<vmem>>, vector<1x16xf32>,
      %swap3A_81 = vector.shape_cast %swap3A_80 : vector<1x16xf32> to vector<16xf32>
      %swap3A_82 = vector.shape_cast %broadcast_in_dim3A_24 : vector<16xf32> to vector<1x16xf32>
      tpu.vector_store %arg11[%swap3A_78, %swap3A_79], %swap3A_82 {strides = array<i32>} : memref<16x128xf32, #tpu.memory_space<vmem>>, vector<1x16xf32>,
      %swap3A_83 = arith.index_cast %scan3A_68 : i32 to index
      %swap3A_84 = arith.constant 48 : index
      %swap3A_85 = tpu.vector_load %arg11[%swap3A_83, %swap3A_84] {strides = array<i32>} : memref<16x128xf32, #tpu.memory_space<vmem>>, vector<1x16xf32>,
      %swap3A_86 = vector.shape_cast %swap3A_85 : vector<1x16xf32> to vector<16xf32>
      %swap3A_87 = vector.shape_cast %broadcast_in_dim3A_24 : vector<16xf32> to vector<1x16xf32>
      tpu.vector_store %arg11[%swap3A_83, %swap3A_84], %swap3A_87 {strides = array<i32>} : memref<16x128xf32, #tpu.memory_space<vmem>>, vector<1x16xf32>,
      %swap3A_88 = arith.index_cast %scan3A_68 : i32 to index
      %swap3A_89 = arith.constant 64 : index
      %swap3A_90 = tpu.vector_load %arg11[%swap3A_88, %swap3A_89] {strides = array<i32>} : memref<16x128xf32, #tpu.memory_space<vmem>>, vector<1x16xf32>,
      %swap3A_91 = vector.shape_cast %swap3A_90 : vector<1x16xf32> to vector<16xf32>
      %swap3A_92 = vector.shape_cast %broadcast_in_dim3A_24 : vector<16xf32> to vector<1x16xf32>
      tpu.vector_store %arg11[%swap3A_88, %swap3A_89], %swap3A_92 {strides = array<i32>} : memref<16x128xf32, #tpu.memory_space<vmem>>, vector<1x16xf32>,
      %swap3A_93 = arith.index_cast %scan3A_68 : i32 to index
      %swap3A_94 = arith.constant 80 : index
      %swap3A_95 = tpu.vector_load %arg11[%swap3A_93, %swap3A_94] {strides = array<i32>} : memref<16x128xf32, #tpu.memory_space<vmem>>, vector<1x16xf32>,
      %swap3A_96 = vector.shape_cast %swap3A_95 : vector<1x16xf32> to vector<16xf32>
      %swap3A_97 = vector.shape_cast %broadcast_in_dim3A_24 : vector<16xf32> to vector<1x16xf32>
      tpu.vector_store %arg11[%swap3A_93, %swap3A_94], %swap3A_97 {strides = array<i32>} : memref<16x128xf32, #tpu.memory_space<vmem>>, vector<1x16xf32>,
      %swap3A_98 = arith.index_cast %scan3A_68 : i32 to index
      %swap3A_99 = arith.constant 96 : index
      %swap3A_100 = tpu.vector_load %arg11[%swap3A_98, %swap3A_99] {strides = array<i32>} : memref<16x128xf32, #tpu.memory_space<vmem>>, vector<1x16xf32>,
      %swap3A_101 = vector.shape_cast %swap3A_100 : vector<1x16xf32> to vector<16xf32>
      %swap3A_102 = vector.shape_cast %broadcast_in_dim3A_24 : vector<16xf32> to vector<1x16xf32>
      tpu.vector_store %arg11[%swap3A_98, %swap3A_99], %swap3A_102 {strides = array<i32>} : memref<16x128xf32, #tpu.memory_space<vmem>>, vector<1x16xf32>,
      %swap3A_103 = arith.index_cast %scan3A_68 : i32 to index
      %swap3A_104 = arith.constant 112 : index
      %swap3A_105 = tpu.vector_load %arg11[%swap3A_103, %swap3A_104] {strides = array<i32>} : memref<16x128xf32, #tpu.memory_space<vmem>>, vector<1x16xf32>,
      %swap3A_106 = vector.shape_cast %swap3A_105 : vector<1x16xf32> to vector<16xf32>
      %swap3A_107 = vector.shape_cast %broadcast_in_dim3A_24 : vector<16xf32> to vector<1x16xf32>
      tpu.vector_store %arg11[%swap3A_103, %swap3A_104], %swap3A_107 {strides = array<i32>} : memref<16x128xf32, #tpu.memory_space<vmem>>, vector<1x16xf32>,
    }
    %scan3A_29 = arith.constant 16 : i32
    %scan3A_30 = arith.constant 0 : i32
    %scan3A_31 = arith.constant 0 : i32
    %scan3A_32 = arith.constant 40 : i32
    %scan3A_33 = arith.addi %scan3A_31, %scan3A_32 : i32
    %scan3A_34 = arith.constant 1 : i32
    scf.for %scan3A_68 = %scan3A_31 to %scan3A_33 step %scan3A_34  : i32 {
      %mul3A_69 = arith.constant 16 : i32
      %mul3A_70 = arith.muli %scan3A_68, %mul3A_69 : i32
      %add3A_71 = arith.addi %arg1, %mul3A_70 : i32
      %mul3A_72 = arith.constant 16 : i32
      %mul3A_73 = arith.muli %add3A_71, %mul3A_72 : i32
      %multiple_of3A_74 = tpu.assume_multiple %mul3A_73, 16 : i32
      "tpu.region"() ({
        %run_scoped3A = tpu.sem_alloc : memref<!tpu.dma_semaphore, #tpu.memory_space<semaphore_mem>>
        %dma_start3A_75 = arith.constant 0 : i32
        %dma_start3A_76 = tpu.memref_slice %arg12[%multiple_of3A_74, %dma_start3A_75] : memref<10240x128xf32, #tpu.memory_space<vmem_shared>> -> memref<16x128xf32, #tpu.memory_space<vmem_shared>>
        %dma_start3A_77 = arith.constant 0 : i32
        %dma_start3A_78 = tpu.memref_slice %arg12[%multiple_of3A_74, %dma_start3A_77] : memref<10240x128xf32, #tpu.memory_space<vmem_shared>> -> memref<16x128xf32, #tpu.memory_space<vmem_shared>>
        tpu.enqueue_dma source(%arg11 : memref<16x128xf32, #tpu.memory_space<vmem>>) target(%dma_start3A_78 : memref<16x128xf32, #tpu.memory_space<vmem_shared>>) target_semaphore(%run_scoped3A : memref<!tpu.dma_semaphore, #tpu.memory_space<semaphore_mem>>)
        %dma_wait3A_79 = arith.constant 0 : i32
        %dma_wait3A_80 = tpu.memref_slice %arg12[%multiple_of3A_74, %dma_wait3A_79] : memref<10240x128xf32, #tpu.memory_space<vmem_shared>> -> memref<16x128xf32, #tpu.memory_space<vmem_shared>>
        %dma_wait3A_81 = arith.constant 0 : i32
        %dma_wait3A_82 = tpu.memref_slice %arg12[%multiple_of3A_74, %dma_wait3A_81] : memref<10240x128xf32, #tpu.memory_space<vmem_shared>> -> memref<16x128xf32, #tpu.memory_space<vmem_shared>>
        tpu.wait_dma2 semaphore(%run_scoped3A : memref<!tpu.dma_semaphore, #tpu.memory_space<semaphore_mem>>) src(%arg11 : memref<16x128xf32, #tpu.memory_space<vmem>>) dst(%dma_wait3A_82 : memref<16x128xf32, #tpu.memory_space<vmem_shared>>)
        tpu.yield
      }) : () -> ()
    }
    %scan3A_35 = arith.constant 40 : i32
    %barrier3A = arith.constant 0 : index
    tpu.barrier barrier_id(%barrier3A)
    %scan3A_36 = arith.constant 0 : i32
    %scan3A_37 = arith.constant 0 : i32
    %scan3A_38 = arith.constant 39 : i32
    %scan3A_39 = arith.addi %scan3A_37, %scan3A_38 : i32
    %scan3A_40 = arith.constant 1 : i32
    scf.for %scan3A_68 = %scan3A_37 to %scan3A_39 step %scan3A_40  : i32 {
      %dma_wait3A_69 = arith.constant 0 : i32
      %dma_wait3A_70 = tpu.memref_slice %arg4[%dma_wait3A_69] : memref<327680xi32, #tpu.memory_space<hbm>> -> memref<128xi32, #tpu.memory_space<hbm>>
      %dma_wait3A_71 = arith.constant 0 : i32
      %dma_wait3A_72 = tpu.memref_slice %arg4[%dma_wait3A_71] : memref<327680xi32, #tpu.memory_space<hbm>> -> memref<128xi32, #tpu.memory_space<hbm>>
      tpu.wait_dma2 semaphore(%arg13 : memref<!tpu.dma_semaphore, #tpu.memory_space<semaphore_mem>>) src(%dma_wait3A_72 : memref<128xi32, #tpu.memory_space<hbm>>) dst(%arg7 : memref<128xi32, #tpu.memory_space<vmem>>)
      %dma_wait3A_73 = arith.constant 0 : i32
      %dma_wait3A_74 = arith.constant 0 : i32
      %dma_wait3A_75 = tpu.memref_slice %arg2[%dma_wait3A_73, %dma_wait3A_74] : memref<10000x128xf32, #tpu.memory_space<hbm>> -> memref<128x128xf32, #tpu.memory_space<hbm>>
      %dma_wait3A_76 = arith.constant 0 : i32
      %dma_wait3A_77 = arith.constant 0 : i32
      %dma_wait3A_78 = tpu.memref_slice %arg2[%dma_wait3A_76, %dma_wait3A_77] : memref<10000x128xf32, #tpu.memory_space<hbm>> -> memref<128x128xf32, #tpu.memory_space<hbm>>
      tpu.wait_dma2 semaphore(%arg15 : memref<!tpu.dma_semaphore, #tpu.memory_space<semaphore_mem>>) src(%dma_wait3A_78 : memref<128x128xf32, #tpu.memory_space<hbm>>) dst(%arg9 : memref<128x128xf32, #tpu.memory_space<vmem>>)
      "tpu.region"() ({
        %run_scoped3A = tpu.sem_alloc : memref<!tpu.dma_semaphore, #tpu.memory_space<semaphore_mem>>
        %dma_start3A_123 = arith.constant 0 : i32
        %dma_start3A_124 = arith.constant 0 : i32
        %dma_start3A_125 = tpu.memref_slice %arg12[%dma_start3A_123, %dma_start3A_124] : memref<10240x128xf32, #tpu.memory_space<vmem_shared>> -> memref<10240x128xf32, #tpu.memory_space<vmem_shared>>
        tpu.enqueue_indirect_dma source(%arg9 : memref<128x128xf32, #tpu.memory_space<vmem>>) target(%dma_start3A_125 : memref<10240x128xf32, #tpu.memory_space<vmem_shared>>) offsets(%arg7 : memref<128xi32, #tpu.memory_space<vmem>>) semaphore(%run_scoped3A : memref<!tpu.dma_semaphore, #tpu.memory_space<semaphore_mem>>) {add = true}
        %dma_wait3A_126 = arith.constant 0 : i32
        %dma_wait3A_127 = arith.constant 0 : i32
        %dma_wait3A_128 = tpu.memref_slice %arg12[%dma_wait3A_126, %dma_wait3A_127] : memref<10240x128xf32, #tpu.memory_space<vmem_shared>> -> memref<10240x128xf32, #tpu.memory_space<vmem_shared>>
        tpu.wait_indirect_dma semaphore(%run_scoped3A : memref<!tpu.dma_semaphore, #tpu.memory_space<semaphore_mem>>) src(%arg9 : memref<128x128xf32, #tpu.memory_space<vmem>>) dst(%dma_wait3A_128 : memref<10240x128xf32, #tpu.memory_space<vmem_shared>>)
        tpu.yield
      }) : () -> ()
      %mul3A_79 = arith.constant 2 : i32
      %mul3A_80 = arith.muli %mul3A_79, %scan3A_68 : i32
      %add3A_81 = arith.constant 2 : i32
      %add3A_82 = arith.addi %mul3A_80, %add3A_81 : i32
      %mul3A_83 = arith.constant 128 : i32
      %mul3A_84 = arith.muli %add3A_82, %mul3A_83 : i32
      %multiple_of3A_85 = tpu.assume_multiple %mul3A_84, 128 : i32
      %add3A_86 = arith.addi %multiple_of3A, %multiple_of3A_85 : i32
      %dma_start3A_87 = tpu.memref_slice %arg4[%add3A_86] : memref<327680xi32, #tpu.memory_space<hbm>> -> memref<128xi32, #tpu.memory_space<hbm>>
      %dma_start3A_88 = tpu.memref_slice %arg4[%add3A_86] : memref<327680xi32, #tpu.memory_space<hbm>> -> memref<128xi32, #tpu.memory_space<hbm>>
      tpu.enqueue_dma source(%dma_start3A_88 : memref<128xi32, #tpu.memory_space<hbm>>) target(%arg7 : memref<128xi32, #tpu.memory_space<vmem>>) target_semaphore(%arg13 : memref<!tpu.dma_semaphore, #tpu.memory_space<semaphore_mem>>)
      %mul3A_89 = arith.constant 128 : i32
      %mul3A_90 = arith.muli %add3A_82, %mul3A_89 : i32
      %multiple_of3A_91 = tpu.assume_multiple %mul3A_90, 128 : i32
      %dma_start3A_92 = tpu.memref_slice %arg6[%multiple_of3A_91] : memref<10240xi32, #tpu.memory_space<vmem>> -> memref<128xi32, #tpu.memory_space<vmem>>
      %dma_start3A_93 = arith.constant 0 : i32
      %dma_start3A_94 = arith.constant 0 : i32
      %dma_start3A_95 = tpu.memref_slice %arg2[%dma_start3A_93, %dma_start3A_94] : memref<10000x128xf32, #tpu.memory_space<hbm>> -> memref<10000x128xf32, #tpu.memory_space<hbm>>
      tpu.enqueue_indirect_dma source(%dma_start3A_95 : memref<10000x128xf32, #tpu.memory_space<hbm>>) target(%arg9 : memref<128x128xf32, #tpu.memory_space<vmem>>) offsets(%dma_start3A_92 : memref<128xi32, #tpu.memory_space<vmem>>) semaphore(%arg15 : memref<!tpu.dma_semaphore, #tpu.memory_space<semaphore_mem>>)
      %dma_wait3A_96 = arith.constant 0 : i32
      %dma_wait3A_97 = tpu.memref_slice %arg4[%dma_wait3A_96] : memref<327680xi32, #tpu.memory_space<hbm>> -> memref<128xi32, #tpu.memory_space<hbm>>
      %dma_wait3A_98 = arith.constant 0 : i32
      %dma_wait3A_99 = tpu.memref_slice %arg4[%dma_wait3A_98] : memref<327680xi32, #tpu.memory_space<hbm>> -> memref<128xi32, #tpu.memory_space<hbm>>
      tpu.wait_dma2 semaphore(%arg14 : memref<!tpu.dma_semaphore, #tpu.memory_space<semaphore_mem>>) src(%dma_wait3A_99 : memref<128xi32, #tpu.memory_space<hbm>>) dst(%arg8 : memref<128xi32, #tpu.memory_space<vmem>>)
      %dma_wait3A_100 = arith.constant 0 : i32
      %dma_wait3A_101 = arith.constant 0 : i32
      %dma_wait3A_102 = tpu.memref_slice %arg2[%dma_wait3A_100, %dma_wait3A_101] : memref<10000x128xf32, #tpu.memory_space<hbm>> -> memref<128x128xf32, #tpu.memory_space<hbm>>
      %dma_wait3A_103 = arith.constant 0 : i32
      %dma_wait3A_104 = arith.constant 0 : i32
      %dma_wait3A_105 = tpu.memref_slice %arg2[%dma_wait3A_103, %dma_wait3A_104] : memref<10000x128xf32, #tpu.memory_space<hbm>> -> memref<128x128xf32, #tpu.memory_space<hbm>>
      tpu.wait_dma2 semaphore(%arg16 : memref<!tpu.dma_semaphore, #tpu.memory_space<semaphore_mem>>) src(%dma_wait3A_105 : memref<128x128xf32, #tpu.memory_space<hbm>>) dst(%arg10 : memref<128x128xf32, #tpu.memory_space<vmem>>)
      "tpu.region"() ({
        %run_scoped3A = tpu.sem_alloc : memref<!tpu.dma_semaphore, #tpu.memory_space<semaphore_mem>>
        %dma_start3A_123 = arith.constant 0 : i32
        %dma_start3A_124 = arith.constant 0 : i32
        %dma_start3A_125 = tpu.memref_slice %arg12[%dma_start3A_123, %dma_start3A_124] : memref<10240x128xf32, #tpu.memory_space<vmem_shared>> -> memref<10240x128xf32, #tpu.memory_space<vmem_shared>>
        tpu.enqueue_indirect_dma source(%arg10 : memref<128x128xf32, #tpu.memory_space<vmem>>) target(%dma_start3A_125 : memref<10240x128xf32, #tpu.memory_space<vmem_shared>>) offsets(%arg8 : memref<128xi32, #tpu.memory_space<vmem>>) semaphore(%run_scoped3A : memref<!tpu.dma_semaphore, #tpu.memory_space<semaphore_mem>>) {add = true}
        %dma_wait3A_126 = arith.constant 0 : i32
        %dma_wait3A_127 = arith.constant 0 : i32
        %dma_wait3A_128 = tpu.memref_slice %arg12[%dma_wait3A_126, %dma_wait3A_127] : memref<10240x128xf32, #tpu.memory_space<vmem_shared>> -> memref<10240x128xf32, #tpu.memory_space<vmem_shared>>
        tpu.wait_indirect_dma semaphore(%run_scoped3A : memref<!tpu.dma_semaphore, #tpu.memory_space<semaphore_mem>>) src(%arg10 : memref<128x128xf32, #tpu.memory_space<vmem>>) dst(%dma_wait3A_128 : memref<10240x128xf32, #tpu.memory_space<vmem_shared>>)
        tpu.yield
      }) : () -> ()
      %mul3A_106 = arith.constant 2 : i32
      %mul3A_107 = arith.muli %mul3A_106, %scan3A_68 : i32
      %add3A_108 = arith.constant 3 : i32
      %add3A_109 = arith.addi %mul3A_107, %add3A_108 : i32
      %mul3A_110 = arith.constant 128 : i32
      %mul3A_111 = arith.muli %add3A_109, %mul3A_110 : i32
      %multiple_of3A_112 = tpu.assume_multiple %mul3A_111, 128 : i32
      %add3A_113 = arith.addi %multiple_of3A, %multiple_of3A_112 : i32
      %dma_start3A_114 = tpu.memref_slice %arg4[%add3A_113] : memref<327680xi32, #tpu.memory_space<hbm>> -> memref<128xi32, #tpu.memory_space<hbm>>
      %dma_start3A_115 = tpu.memref_slice %arg4[%add3A_113] : memref<327680xi32, #tpu.memory_space<hbm>> -> memref<128xi32, #tpu.memory_space<hbm>>
      tpu.enqueue_dma source(%dma_start3A_115 : memref<128xi32, #tpu.memory_space<hbm>>) target(%arg8 : memref<128xi32, #tpu.memory_space<vmem>>) target_semaphore(%arg14 : memref<!tpu.dma_semaphore, #tpu.memory_space<semaphore_mem>>)
      %mul3A_116 = arith.constant 128 : i32
      %mul3A_117 = arith.muli %add3A_109, %mul3A_116 : i32
      %multiple_of3A_118 = tpu.assume_multiple %mul3A_117, 128 : i32
      %dma_start3A_119 = tpu.memref_slice %arg6[%multiple_of3A_118] : memref<10240xi32, #tpu.memory_space<vmem>> -> memref<128xi32, #tpu.memory_space<vmem>>
      %dma_start3A_120 = arith.constant 0 : i32
      %dma_start3A_121 = arith.constant 0 : i32
      %dma_start3A_122 = tpu.memref_slice %arg2[%dma_start3A_120, %dma_start3A_121] : memref<10000x128xf32, #tpu.memory_space<hbm>> -> memref<10000x128xf32, #tpu.memory_space<hbm>>
      tpu.enqueue_indirect_dma source(%dma_start3A_122 : memref<10000x128xf32, #tpu.memory_space<hbm>>) target(%arg10 : memref<128x128xf32, #tpu.memory_space<vmem>>) offsets(%dma_start3A_119 : memref<128xi32, #tpu.memory_space<vmem>>) semaphore(%arg16 : memref<!tpu.dma_semaphore, #tpu.memory_space<semaphore_mem>>)
    }
    %scan3A_41 = arith.constant 39 : i32
    %dma_wait3A = arith.constant 0 : i32
    %dma_wait3A_42 = tpu.memref_slice %arg4[%dma_wait3A] : memref<327680xi32, #tpu.memory_space<hbm>> -> memref<128xi32, #tpu.memory_space<hbm>>
    %dma_wait3A_43 = arith.constant 0 : i32
    %dma_wait3A_44 = tpu.memref_slice %arg4[%dma_wait3A_43] : memref<327680xi32, #tpu.memory_space<hbm>> -> memref<128xi32, #tpu.memory_space<hbm>>
    tpu.wait_dma2 semaphore(%arg13 : memref<!tpu.dma_semaphore, #tpu.memory_space<semaphore_mem>>) src(%dma_wait3A_44 : memref<128xi32, #tpu.memory_space<hbm>>) dst(%arg7 : memref<128xi32, #tpu.memory_space<vmem>>)
    %dma_wait3A_45 = arith.constant 0 : i32
    %dma_wait3A_46 = arith.constant 0 : i32
    %dma_wait3A_47 = tpu.memref_slice %arg2[%dma_wait3A_45, %dma_wait3A_46] : memref<10000x128xf32, #tpu.memory_space<hbm>> -> memref<128x128xf32, #tpu.memory_space<hbm>>
    %dma_wait3A_48 = arith.constant 0 : i32
    %dma_wait3A_49 = arith.constant 0 : i32
    %dma_wait3A_50 = tpu.memref_slice %arg2[%dma_wait3A_48, %dma_wait3A_49] : memref<10000x128xf32, #tpu.memory_space<hbm>> -> memref<128x128xf32, #tpu.memory_space<hbm>>
    tpu.wait_dma2 semaphore(%arg15 : memref<!tpu.dma_semaphore, #tpu.memory_space<semaphore_mem>>) src(%dma_wait3A_50 : memref<128x128xf32, #tpu.memory_space<hbm>>) dst(%arg9 : memref<128x128xf32, #tpu.memory_space<vmem>>)
    "tpu.region"() ({
      %run_scoped3A = tpu.sem_alloc : memref<!tpu.dma_semaphore, #tpu.memory_space<semaphore_mem>>
      %dma_start3A_68 = arith.constant 0 : i32
      %dma_start3A_69 = arith.constant 0 : i32
      %dma_start3A_70 = tpu.memref_slice %arg12[%dma_start3A_68, %dma_start3A_69] : memref<10240x128xf32, #tpu.memory_space<vmem_shared>> -> memref<10240x128xf32, #tpu.memory_space<vmem_shared>>
      tpu.enqueue_indirect_dma source(%arg9 : memref<128x128xf32, #tpu.memory_space<vmem>>) target(%dma_start3A_70 : memref<10240x128xf32, #tpu.memory_space<vmem_shared>>) offsets(%arg7 : memref<128xi32, #tpu.memory_space<vmem>>) semaphore(%run_scoped3A : memref<!tpu.dma_semaphore, #tpu.memory_space<semaphore_mem>>) {add = true}
      %dma_wait3A_71 = arith.constant 0 : i32
      %dma_wait3A_72 = arith.constant 0 : i32
      %dma_wait3A_73 = tpu.memref_slice %arg12[%dma_wait3A_71, %dma_wait3A_72] : memref<10240x128xf32, #tpu.memory_space<vmem_shared>> -> memref<10240x128xf32, #tpu.memory_space<vmem_shared>>
      tpu.wait_indirect_dma semaphore(%run_scoped3A : memref<!tpu.dma_semaphore, #tpu.memory_space<semaphore_mem>>) src(%arg9 : memref<128x128xf32, #tpu.memory_space<vmem>>) dst(%dma_wait3A_73 : memref<10240x128xf32, #tpu.memory_space<vmem_shared>>)
      tpu.yield
    }) : () -> ()
    %dma_wait3A_51 = arith.constant 0 : i32
    %dma_wait3A_52 = tpu.memref_slice %arg4[%dma_wait3A_51] : memref<327680xi32, #tpu.memory_space<hbm>> -> memref<128xi32, #tpu.memory_space<hbm>>
    %dma_wait3A_53 = arith.constant 0 : i32
    %dma_wait3A_54 = tpu.memref_slice %arg4[%dma_wait3A_53] : memref<327680xi32, #tpu.memory_space<hbm>> -> memref<128xi32, #tpu.memory_space<hbm>>
    tpu.wait_dma2 semaphore(%arg14 : memref<!tpu.dma_semaphore, #tpu.memory_space<semaphore_mem>>) src(%dma_wait3A_54 : memref<128xi32, #tpu.memory_space<hbm>>) dst(%arg8 : memref<128xi32, #tpu.memory_space<vmem>>)
    %dma_wait3A_55 = arith.constant 0 : i32
    %dma_wait3A_56 = arith.constant 0 : i32
    %dma_wait3A_57 = tpu.memref_slice %arg2[%dma_wait3A_55, %dma_wait3A_56] : memref<10000x128xf32, #tpu.memory_space<hbm>> -> memref<128x128xf32, #tpu.memory_space<hbm>>
    %dma_wait3A_58 = arith.constant 0 : i32
    %dma_wait3A_59 = arith.constant 0 : i32
    %dma_wait3A_60 = tpu.memref_slice %arg2[%dma_wait3A_58, %dma_wait3A_59] : memref<10000x128xf32, #tpu.memory_space<hbm>> -> memref<128x128xf32, #tpu.memory_space<hbm>>
    tpu.wait_dma2 semaphore(%arg16 : memref<!tpu.dma_semaphore, #tpu.memory_space<semaphore_mem>>) src(%dma_wait3A_60 : memref<128x128xf32, #tpu.memory_space<hbm>>) dst(%arg10 : memref<128x128xf32, #tpu.memory_space<vmem>>)
    "tpu.region"() ({
      %run_scoped3A = tpu.sem_alloc : memref<!tpu.dma_semaphore, #tpu.memory_space<semaphore_mem>>
      %dma_start3A_68 = arith.constant 0 : i32
      %dma_start3A_69 = arith.constant 0 : i32
      %dma_start3A_70 = tpu.memref_slice %arg12[%dma_start3A_68, %dma_start3A_69] : memref<10240x128xf32, #tpu.memory_space<vmem_shared>> -> memref<10240x128xf32, #tpu.memory_space<vmem_shared>>
      tpu.enqueue_indirect_dma source(%arg10 : memref<128x128xf32, #tpu.memory_space<vmem>>) target(%dma_start3A_70 : memref<10240x128xf32, #tpu.memory_space<vmem_shared>>) offsets(%arg8 : memref<128xi32, #tpu.memory_space<vmem>>) semaphore(%run_scoped3A : memref<!tpu.dma_semaphore, #tpu.memory_space<semaphore_mem>>) {add = true}
      %dma_wait3A_71 = arith.constant 0 : i32
      %dma_wait3A_72 = arith.constant 0 : i32
      %dma_wait3A_73 = tpu.memref_slice %arg12[%dma_wait3A_71, %dma_wait3A_72] : memref<10240x128xf32, #tpu.memory_space<vmem_shared>> -> memref<10240x128xf32, #tpu.memory_space<vmem_shared>>
      tpu.wait_indirect_dma semaphore(%run_scoped3A : memref<!tpu.dma_semaphore, #tpu.memory_space<semaphore_mem>>) src(%arg10 : memref<128x128xf32, #tpu.memory_space<vmem>>) dst(%dma_wait3A_73 : memref<10240x128xf32, #tpu.memory_space<vmem_shared>>)
      tpu.yield
    }) : () -> ()
    %barrier3A_61 = arith.constant 0 : index
    tpu.barrier barrier_id(%barrier3A_61)
    %scan3A_62 = arith.constant 0 : i32
    %scan3A_63 = arith.constant 0 : i32
    %scan3A_64 = arith.constant 8 : i32
    %scan3A_65 = arith.addi %scan3A_63, %scan3A_64 : i32
    %scan3A_66 = arith.constant 1 : i32
    scf.for %scan3A_68 = %scan3A_63 to %scan3A_65 step %scan3A_66  : i32 {
      %mul3A_69 = arith.constant 16 : i32
      %mul3A_70 = arith.muli %scan3A_68, %mul3A_69 : i32
      %add3A_71 = arith.addi %arg1, %mul3A_70 : i32
      %lt3A = arith.constant 125 : i32
      %lt3A_72 = arith.cmpi slt, %add3A_71, %lt3A : i32
      %convert_element_type3A = arith.extui %lt3A_72 : i1 to i32
      %cond3A = arith.constant 0 : i32
      %cond3A_73 = arith.cmpi ne, %convert_element_type3A, %cond3A : i32
      scf.if %cond3A_73 {
        %mul3A_74 = arith.constant 80 : i32
        %mul3A_75 = arith.muli %add3A_71, %mul3A_74 : i32
        %multiple_of3A_76 = tpu.assume_multiple %mul3A_75, 80 : i32
        %mul3A_77 = arith.constant 10000 : i32
        %mul3A_78 = arith.muli %arg0, %mul3A_77 : i32
        %multiple_of3A_79 = tpu.assume_multiple %mul3A_78, 80 : i32
        %add3A_80 = arith.addi %multiple_of3A_79, %multiple_of3A_76 : i32
        "tpu.region"() ({
          %run_scoped3A = tpu.sem_alloc : memref<!tpu.dma_semaphore, #tpu.memory_space<semaphore_mem>>
          %dma_start3A_81 = arith.constant 0 : i32
          %dma_start3A_82 = tpu.memref_slice %arg5[%add3A_80, %dma_start3A_81] : memref<20000x128xf32, #tpu.memory_space<hbm>> -> memref<80x128xf32, #tpu.memory_space<hbm>>
          %dma_start3A_83 = arith.constant 0 : i32
          %dma_start3A_84 = tpu.memref_slice %arg12[%multiple_of3A_76, %dma_start3A_83] : memref<10240x128xf32, #tpu.memory_space<vmem_shared>> -> memref<80x128xf32, #tpu.memory_space<vmem_shared>>
          tpu.enqueue_dma source(%dma_start3A_84 : memref<80x128xf32, #tpu.memory_space<vmem_shared>>) target(%dma_start3A_82 : memref<80x128xf32, #tpu.memory_space<hbm>>) target_semaphore(%run_scoped3A : memref<!tpu.dma_semaphore, #tpu.memory_space<semaphore_mem>>)
          %dma_wait3A_85 = arith.constant 0 : i32
          %dma_wait3A_86 = tpu.memref_slice %arg5[%add3A_80, %dma_wait3A_85] : memref<20000x128xf32, #tpu.memory_space<hbm>> -> memref<80x128xf32, #tpu.memory_space<hbm>>
          %dma_wait3A_87 = arith.constant 0 : i32
          %dma_wait3A_88 = tpu.memref_slice %arg12[%multiple_of3A_76, %dma_wait3A_87] : memref<10240x128xf32, #tpu.memory_space<vmem_shared>> -> memref<80x128xf32, #tpu.memory_space<vmem_shared>>
          tpu.wait_dma2 semaphore(%run_scoped3A : memref<!tpu.dma_semaphore, #tpu.memory_space<semaphore_mem>>) src(%dma_wait3A_88 : memref<80x128xf32, #tpu.memory_space<vmem_shared>>) dst(%dma_wait3A_86 : memref<80x128xf32, #tpu.memory_space<hbm>>)
          tpu.yield
        }) : () -> ()
      } else {
      }
    }
    %scan3A_67 = arith.constant 8 : i32
    return
  }
}

#map = affine_map<(d0, d1) -> (0, 0)>
#map1 = affine_map<(d0, d1) -> (0)>
module attributes {stable_mosaic.version = 14 : i64} {
  func.func @_sc_gather_segsum(%arg0: i32, %arg1: i32, %arg2: memref<10000x128xf32, #tpu.memory_space<hbm>>, %arg3: memref<327680xi32, #tpu.memory_space<hbm>>, %arg4: memref<327680xi32, #tpu.memory_space<hbm>>, %arg5: memref<20000x128xf32, #tpu.memory_space<hbm>>, %arg6: memref<10240xi32, #tpu.memory_space<vmem>>, %arg7: memref<128xi32, #tpu.memory_space<vmem>>, %arg8: memref<128xi32, #tpu.memory_space<vmem>>, %arg9: memref<128x128xf32, #tpu.memory_space<vmem>>, %arg10: memref<128x128xf32, #tpu.memory_space<vmem>>, %arg11: memref<16x128xf32, #tpu.memory_space<vmem>>, %arg12: memref<10240x128xf32, #tpu.memory_space<vmem_shared>>, %arg13: memref<!tpu.dma_semaphore, #tpu.memory_space<semaphore_mem>>, %arg14: memref<!tpu.dma_semaphore, #tpu.memory_space<semaphore_mem>>, %arg15: memref<!tpu.dma_semaphore, #tpu.memory_space<semaphore_mem>>, %arg16: memref<!tpu.dma_semaphore, #tpu.memory_space<semaphore_mem>>) attributes {dimension_semantics = [#tpu.dimension_semantics<core_parallel>, #tpu.dimension_semantics<subcore_parallel>], iteration_bounds = array<i64: 2, 16>, scalar_prefetch = 0 : i64, scratch_operands = 11 : i64, tpu.core_type = #tpu.core_type<sc_vector_subcore>, window_params = [{transform_indices = #map}, {transform_indices = #map1}, {transform_indices = #map1}, {transform_indices = #map}]} {
    %mul3A = arith.constant 2 : i32
    %mul3A_0 = arith.muli %arg1, %mul3A : i32
    %add3A = arith.addi %mul3A_0, %arg0 : i32
    %mul3A_1 = arith.constant 10240 : i32
    %mul3A_2 = arith.muli %add3A, %mul3A_1 : i32
    %multiple_of3A = tpu.assume_multiple %mul3A_2, 10240 : i32
    "tpu.region"() ({
      %run_scoped3A = tpu.sem_alloc : memref<!tpu.dma_semaphore, #tpu.memory_space<semaphore_mem>>
      %dma_start3A_68 = tpu.memref_slice %arg3[%multiple_of3A] : memref<327680xi32, #tpu.memory_space<hbm>> -> memref<10240xi32, #tpu.memory_space<hbm>>
      %dma_start3A_69 = tpu.memref_slice %arg3[%multiple_of3A] : memref<327680xi32, #tpu.memory_space<hbm>> -> memref<10240xi32, #tpu.memory_space<hbm>>
      tpu.enqueue_dma source(%dma_start3A_69 : memref<10240xi32, #tpu.memory_space<hbm>>) target(%arg6 : memref<10240xi32, #tpu.memory_space<vmem>>) target_semaphore(%run_scoped3A : memref<!tpu.dma_semaphore, #tpu.memory_space<semaphore_mem>>)
      %dma_wait3A_70 = tpu.memref_slice %arg3[%multiple_of3A] : memref<327680xi32, #tpu.memory_space<hbm>> -> memref<10240xi32, #tpu.memory_space<hbm>>
      %dma_wait3A_71 = tpu.memref_slice %arg3[%multiple_of3A] : memref<327680xi32, #tpu.memory_space<hbm>> -> memref<10240xi32, #tpu.memory_space<hbm>>
      tpu.wait_dma2 semaphore(%run_scoped3A : memref<!tpu.dma_semaphore, #tpu.memory_space<semaphore_mem>>) src(%dma_wait3A_71 : memref<10240xi32, #tpu.memory_space<hbm>>) dst(%arg6 : memref<10240xi32, #tpu.memory_space<vmem>>)
      tpu.yield
    }) : () -> ()
    %multiple_of3A_3 = arith.constant 0 : i32
    %multiple_of3A_4 = tpu.assume_multiple %multiple_of3A_3, 128 : i32
    %add3A_5 = arith.addi %multiple_of3A, %multiple_of3A_4 : i32
    %dma_start3A = tpu.memref_slice %arg4[%add3A_5] : memref<327680xi32, #tpu.memory_space<hbm>> -> memref<128xi32, #tpu.memory_space<hbm>>
    %dma_start3A_6 = tpu.memref_slice %arg4[%add3A_5] : memref<327680xi32, #tpu.memory_space<hbm>> -> memref<128xi32, #tpu.memory_space<hbm>>
    tpu.enqueue_dma source(%dma_start3A_6 : memref<128xi32, #tpu.memory_space<hbm>>) target(%arg7 : memref<128xi32, #tpu.memory_space<vmem>>) target_semaphore(%arg13 : memref<!tpu.dma_semaphore, #tpu.memory_space<semaphore_mem>>)
    %multiple_of3A_7 = arith.constant 0 : i32
    %multiple_of3A_8 = tpu.assume_multiple %multiple_of3A_7, 128 : i32
    %dma_start3A_9 = tpu.memref_slice %arg6[%multiple_of3A_8] : memref<10240xi32, #tpu.memory_space<vmem>> -> memref<128xi32, #tpu.memory_space<vmem>>
    %dma_start3A_10 = arith.constant 0 : i32
    %dma_start3A_11 = arith.constant 0 : i32
    %dma_start3A_12 = tpu.memref_slice %arg2[%dma_start3A_10, %dma_start3A_11] : memref<10000x128xf32, #tpu.memory_space<hbm>> -> memref<10000x128xf32, #tpu.memory_space<hbm>>
    tpu.enqueue_indirect_dma source(%dma_start3A_12 : memref<10000x128xf32, #tpu.memory_space<hbm>>) target(%arg9 : memref<128x128xf32, #tpu.memory_space<vmem>>) offsets(%dma_start3A_9 : memref<128xi32, #tpu.memory_space<vmem>>) semaphore(%arg15 : memref<!tpu.dma_semaphore, #tpu.memory_space<semaphore_mem>>)
    %multiple_of3A_13 = arith.constant 128 : i32
    %multiple_of3A_14 = tpu.assume_multiple %multiple_of3A_13, 128 : i32
    %add3A_15 = arith.addi %multiple_of3A, %multiple_of3A_14 : i32
    %dma_start3A_16 = tpu.memref_slice %arg4[%add3A_15] : memref<327680xi32, #tpu.memory_space<hbm>> -> memref<128xi32, #tpu.memory_space<hbm>>
    %dma_start3A_17 = tpu.memref_slice %arg4[%add3A_15] : memref<327680xi32, #tpu.memory_space<hbm>> -> memref<128xi32, #tpu.memory_space<hbm>>
    tpu.enqueue_dma source(%dma_start3A_17 : memref<128xi32, #tpu.memory_space<hbm>>) target(%arg8 : memref<128xi32, #tpu.memory_space<vmem>>) target_semaphore(%arg14 : memref<!tpu.dma_semaphore, #tpu.memory_space<semaphore_mem>>)
    %multiple_of3A_18 = arith.constant 128 : i32
    %multiple_of3A_19 = tpu.assume_multiple %multiple_of3A_18, 128 : i32
    %dma_start3A_20 = tpu.memref_slice %arg6[%multiple_of3A_19] : memref<10240xi32, #tpu.memory_space<vmem>> -> memref<128xi32, #tpu.memory_space<vmem>>
    %dma_start3A_21 = arith.constant 0 : i32
    %dma_start3A_22 = arith.constant 0 : i32
    %dma_start3A_23 = tpu.memref_slice %arg2[%dma_start3A_21, %dma_start3A_22] : memref<10000x128xf32, #tpu.memory_space<hbm>> -> memref<10000x128xf32, #tpu.memory_space<hbm>>
    tpu.enqueue_indirect_dma source(%dma_start3A_23 : memref<10000x128xf32, #tpu.memory_space<hbm>>) target(%arg10 : memref<128x128xf32, #tpu.memory_space<vmem>>) offsets(%dma_start3A_20 : memref<128xi32, #tpu.memory_space<vmem>>) semaphore(%arg16 : memref<!tpu.dma_semaphore, #tpu.memory_space<semaphore_mem>>)
    %broadcast_in_dim3A = arith.constant 0.000000e+00 : f32
    %broadcast_in_dim3A_24 = vector.broadcast %broadcast_in_dim3A : f32 to vector<16xf32>
    %scan3A = arith.constant 0 : i32
    %scan3A_25 = arith.constant 0 : i32
    %scan3A_26 = arith.constant 16 : i32
    %scan3A_27 = arith.addi %scan3A_25, %scan3A_26 : i32
    %scan3A_28 = arith.constant 1 : i32
    scf.for %scan3A_68 = %scan3A_25 to %scan3A_27 step %scan3A_28  : i32 {
      %swap3A = arith.index_cast %scan3A_68 : i32 to index
      %swap3A_69 = arith.constant 0 : index
      %swap3A_70 = tpu.vector_load %arg11[%swap3A, %swap3A_69] {strides = array<i32>} : memref<16x128xf32, #tpu.memory_space<vmem>>, vector<1x16xf32>,
      %swap3A_71 = vector.shape_cast %swap3A_70 : vector<1x16xf32> to vector<16xf32>
      %swap3A_72 = vector.shape_cast %broadcast_in_dim3A_24 : vector<16xf32> to vector<1x16xf32>
      tpu.vector_store %arg11[%swap3A, %swap3A_69], %swap3A_72 {strides = array<i32>} : memref<16x128xf32, #tpu.memory_space<vmem>>, vector<1x16xf32>,
      %swap3A_73 = arith.index_cast %scan3A_68 : i32 to index
      %swap3A_74 = arith.constant 16 : index
      %swap3A_75 = tpu.vector_load %arg11[%swap3A_73, %swap3A_74] {strides = array<i32>} : memref<16x128xf32, #tpu.memory_space<vmem>>, vector<1x16xf32>,
      %swap3A_76 = vector.shape_cast %swap3A_75 : vector<1x16xf32> to vector<16xf32>
      %swap3A_77 = vector.shape_cast %broadcast_in_dim3A_24 : vector<16xf32> to vector<1x16xf32>
      tpu.vector_store %arg11[%swap3A_73, %swap3A_74], %swap3A_77 {strides = array<i32>} : memref<16x128xf32, #tpu.memory_space<vmem>>, vector<1x16xf32>,
      %swap3A_78 = arith.index_cast %scan3A_68 : i32 to index
      %swap3A_79 = arith.constant 32 : index
      %swap3A_80 = tpu.vector_load %arg11[%swap3A_78, %swap3A_79] {strides = array<i32>} : memref<16x128xf32, #tpu.memory_space<vmem>>, vector<1x16xf32>,
      %swap3A_81 = vector.shape_cast %swap3A_80 : vector<1x16xf32> to vector<16xf32>
      %swap3A_82 = vector.shape_cast %broadcast_in_dim3A_24 : vector<16xf32> to vector<1x16xf32>
      tpu.vector_store %arg11[%swap3A_78, %swap3A_79], %swap3A_82 {strides = array<i32>} : memref<16x128xf32, #tpu.memory_space<vmem>>, vector<1x16xf32>,
      %swap3A_83 = arith.index_cast %scan3A_68 : i32 to index
      %swap3A_84 = arith.constant 48 : index
      %swap3A_85 = tpu.vector_load %arg11[%swap3A_83, %swap3A_84] {strides = array<i32>} : memref<16x128xf32, #tpu.memory_space<vmem>>, vector<1x16xf32>,
      %swap3A_86 = vector.shape_cast %swap3A_85 : vector<1x16xf32> to vector<16xf32>
      %swap3A_87 = vector.shape_cast %broadcast_in_dim3A_24 : vector<16xf32> to vector<1x16xf32>
      tpu.vector_store %arg11[%swap3A_83, %swap3A_84], %swap3A_87 {strides = array<i32>} : memref<16x128xf32, #tpu.memory_space<vmem>>, vector<1x16xf32>,
      %swap3A_88 = arith.index_cast %scan3A_68 : i32 to index
      %swap3A_89 = arith.constant 64 : index
      %swap3A_90 = tpu.vector_load %arg11[%swap3A_88, %swap3A_89] {strides = array<i32>} : memref<16x128xf32, #tpu.memory_space<vmem>>, vector<1x16xf32>,
      %swap3A_91 = vector.shape_cast %swap3A_90 : vector<1x16xf32> to vector<16xf32>
      %swap3A_92 = vector.shape_cast %broadcast_in_dim3A_24 : vector<16xf32> to vector<1x16xf32>
      tpu.vector_store %arg11[%swap3A_88, %swap3A_89], %swap3A_92 {strides = array<i32>} : memref<16x128xf32, #tpu.memory_space<vmem>>, vector<1x16xf32>,
      %swap3A_93 = arith.index_cast %scan3A_68 : i32 to index
      %swap3A_94 = arith.constant 80 : index
      %swap3A_95 = tpu.vector_load %arg11[%swap3A_93, %swap3A_94] {strides = array<i32>} : memref<16x128xf32, #tpu.memory_space<vmem>>, vector<1x16xf32>,
      %swap3A_96 = vector.shape_cast %swap3A_95 : vector<1x16xf32> to vector<16xf32>
      %swap3A_97 = vector.shape_cast %broadcast_in_dim3A_24 : vector<16xf32> to vector<1x16xf32>
      tpu.vector_store %arg11[%swap3A_93, %swap3A_94], %swap3A_97 {strides = array<i32>} : memref<16x128xf32, #tpu.memory_space<vmem>>, vector<1x16xf32>,
      %swap3A_98 = arith.index_cast %scan3A_68 : i32 to index
      %swap3A_99 = arith.constant 96 : index
      %swap3A_100 = tpu.vector_load %arg11[%swap3A_98, %swap3A_99] {strides = array<i32>} : memref<16x128xf32, #tpu.memory_space<vmem>>, vector<1x16xf32>,
      %swap3A_101 = vector.shape_cast %swap3A_100 : vector<1x16xf32> to vector<16xf32>
      %swap3A_102 = vector.shape_cast %broadcast_in_dim3A_24 : vector<16xf32> to vector<1x16xf32>
      tpu.vector_store %arg11[%swap3A_98, %swap3A_99], %swap3A_102 {strides = array<i32>} : memref<16x128xf32, #tpu.memory_space<vmem>>, vector<1x16xf32>,
      %swap3A_103 = arith.index_cast %scan3A_68 : i32 to index
      %swap3A_104 = arith.constant 112 : index
      %swap3A_105 = tpu.vector_load %arg11[%swap3A_103, %swap3A_104] {strides = array<i32>} : memref<16x128xf32, #tpu.memory_space<vmem>>, vector<1x16xf32>,
      %swap3A_106 = vector.shape_cast %swap3A_105 : vector<1x16xf32> to vector<16xf32>
      %swap3A_107 = vector.shape_cast %broadcast_in_dim3A_24 : vector<16xf32> to vector<1x16xf32>
      tpu.vector_store %arg11[%swap3A_103, %swap3A_104], %swap3A_107 {strides = array<i32>} : memref<16x128xf32, #tpu.memory_space<vmem>>, vector<1x16xf32>,
    }
    %scan3A_29 = arith.constant 16 : i32
    %scan3A_30 = arith.constant 0 : i32
    %scan3A_31 = arith.constant 0 : i32
    %scan3A_32 = arith.constant 40 : i32
    %scan3A_33 = arith.addi %scan3A_31, %scan3A_32 : i32
    %scan3A_34 = arith.constant 1 : i32
    scf.for %scan3A_68 = %scan3A_31 to %scan3A_33 step %scan3A_34  : i32 {
      %mul3A_69 = arith.constant 16 : i32
      %mul3A_70 = arith.muli %scan3A_68, %mul3A_69 : i32
      %add3A_71 = arith.addi %arg1, %mul3A_70 : i32
      %mul3A_72 = arith.constant 16 : i32
      %mul3A_73 = arith.muli %add3A_71, %mul3A_72 : i32
      %multiple_of3A_74 = tpu.assume_multiple %mul3A_73, 16 : i32
      "tpu.region"() ({
        %run_scoped3A = tpu.sem_alloc : memref<!tpu.dma_semaphore, #tpu.memory_space<semaphore_mem>>
        %dma_start3A_75 = arith.constant 0 : i32
        %dma_start3A_76 = tpu.memref_slice %arg12[%multiple_of3A_74, %dma_start3A_75] : memref<10240x128xf32, #tpu.memory_space<vmem_shared>> -> memref<16x128xf32, #tpu.memory_space<vmem_shared>>
        %dma_start3A_77 = arith.constant 0 : i32
        %dma_start3A_78 = tpu.memref_slice %arg12[%multiple_of3A_74, %dma_start3A_77] : memref<10240x128xf32, #tpu.memory_space<vmem_shared>> -> memref<16x128xf32, #tpu.memory_space<vmem_shared>>
        tpu.enqueue_dma source(%arg11 : memref<16x128xf32, #tpu.memory_space<vmem>>) target(%dma_start3A_78 : memref<16x128xf32, #tpu.memory_space<vmem_shared>>) target_semaphore(%run_scoped3A : memref<!tpu.dma_semaphore, #tpu.memory_space<semaphore_mem>>)
        %dma_wait3A_79 = arith.constant 0 : i32
        %dma_wait3A_80 = tpu.memref_slice %arg12[%multiple_of3A_74, %dma_wait3A_79] : memref<10240x128xf32, #tpu.memory_space<vmem_shared>> -> memref<16x128xf32, #tpu.memory_space<vmem_shared>>
        %dma_wait3A_81 = arith.constant 0 : i32
        %dma_wait3A_82 = tpu.memref_slice %arg12[%multiple_of3A_74, %dma_wait3A_81] : memref<10240x128xf32, #tpu.memory_space<vmem_shared>> -> memref<16x128xf32, #tpu.memory_space<vmem_shared>>
        tpu.wait_dma2 semaphore(%run_scoped3A : memref<!tpu.dma_semaphore, #tpu.memory_space<semaphore_mem>>) src(%arg11 : memref<16x128xf32, #tpu.memory_space<vmem>>) dst(%dma_wait3A_82 : memref<16x128xf32, #tpu.memory_space<vmem_shared>>)
        tpu.yield
      }) : () -> ()
    }
    %scan3A_35 = arith.constant 40 : i32
    %barrier3A = arith.constant 0 : index
    tpu.barrier barrier_id(%barrier3A)
    %scan3A_36 = arith.constant 0 : i32
    %scan3A_37 = arith.constant 0 : i32
    %scan3A_38 = arith.constant 39 : i32
    %scan3A_39 = arith.addi %scan3A_37, %scan3A_38 : i32
    %scan3A_40 = arith.constant 1 : i32
    scf.for %scan3A_68 = %scan3A_37 to %scan3A_39 step %scan3A_40  : i32 {
      %dma_wait3A_69 = arith.constant 0 : i32
      %dma_wait3A_70 = tpu.memref_slice %arg4[%dma_wait3A_69] : memref<327680xi32, #tpu.memory_space<hbm>> -> memref<128xi32, #tpu.memory_space<hbm>>
      %dma_wait3A_71 = arith.constant 0 : i32
      %dma_wait3A_72 = tpu.memref_slice %arg4[%dma_wait3A_71] : memref<327680xi32, #tpu.memory_space<hbm>> -> memref<128xi32, #tpu.memory_space<hbm>>
      tpu.wait_dma2 semaphore(%arg13 : memref<!tpu.dma_semaphore, #tpu.memory_space<semaphore_mem>>) src(%dma_wait3A_72 : memref<128xi32, #tpu.memory_space<hbm>>) dst(%arg7 : memref<128xi32, #tpu.memory_space<vmem>>)
      %dma_wait3A_73 = arith.constant 0 : i32
      %dma_wait3A_74 = arith.constant 0 : i32
      %dma_wait3A_75 = tpu.memref_slice %arg2[%dma_wait3A_73, %dma_wait3A_74] : memref<10000x128xf32, #tpu.memory_space<hbm>> -> memref<128x128xf32, #tpu.memory_space<hbm>>
      %dma_wait3A_76 = arith.constant 0 : i32
      %dma_wait3A_77 = arith.constant 0 : i32
      %dma_wait3A_78 = tpu.memref_slice %arg2[%dma_wait3A_76, %dma_wait3A_77] : memref<10000x128xf32, #tpu.memory_space<hbm>> -> memref<128x128xf32, #tpu.memory_space<hbm>>
      tpu.wait_dma2 semaphore(%arg15 : memref<!tpu.dma_semaphore, #tpu.memory_space<semaphore_mem>>) src(%dma_wait3A_78 : memref<128x128xf32, #tpu.memory_space<hbm>>) dst(%arg9 : memref<128x128xf32, #tpu.memory_space<vmem>>)
      "tpu.region"() ({
        %run_scoped3A = tpu.sem_alloc : memref<!tpu.dma_semaphore, #tpu.memory_space<semaphore_mem>>
        %dma_start3A_123 = arith.constant 0 : i32
        %dma_start3A_124 = arith.constant 0 : i32
        %dma_start3A_125 = tpu.memref_slice %arg12[%dma_start3A_123, %dma_start3A_124] : memref<10240x128xf32, #tpu.memory_space<vmem_shared>> -> memref<10240x128xf32, #tpu.memory_space<vmem_shared>>
        tpu.enqueue_indirect_dma source(%arg9 : memref<128x128xf32, #tpu.memory_space<vmem>>) target(%dma_start3A_125 : memref<10240x128xf32, #tpu.memory_space<vmem_shared>>) offsets(%arg7 : memref<128xi32, #tpu.memory_space<vmem>>) semaphore(%run_scoped3A : memref<!tpu.dma_semaphore, #tpu.memory_space<semaphore_mem>>) {add = true}
        %dma_wait3A_126 = arith.constant 0 : i32
        %dma_wait3A_127 = arith.constant 0 : i32
        %dma_wait3A_128 = tpu.memref_slice %arg12[%dma_wait3A_126, %dma_wait3A_127] : memref<10240x128xf32, #tpu.memory_space<vmem_shared>> -> memref<10240x128xf32, #tpu.memory_space<vmem_shared>>
        tpu.wait_indirect_dma semaphore(%run_scoped3A : memref<!tpu.dma_semaphore, #tpu.memory_space<semaphore_mem>>) src(%arg9 : memref<128x128xf32, #tpu.memory_space<vmem>>) dst(%dma_wait3A_128 : memref<10240x128xf32, #tpu.memory_space<vmem_shared>>)
        tpu.yield
      }) : () -> ()
      %mul3A_79 = arith.constant 2 : i32
      %mul3A_80 = arith.muli %mul3A_79, %scan3A_68 : i32
      %add3A_81 = arith.constant 2 : i32
      %add3A_82 = arith.addi %mul3A_80, %add3A_81 : i32
      %mul3A_83 = arith.constant 128 : i32
      %mul3A_84 = arith.muli %add3A_82, %mul3A_83 : i32
      %multiple_of3A_85 = tpu.assume_multiple %mul3A_84, 128 : i32
      %add3A_86 = arith.addi %multiple_of3A, %multiple_of3A_85 : i32
      %dma_start3A_87 = tpu.memref_slice %arg4[%add3A_86] : memref<327680xi32, #tpu.memory_space<hbm>> -> memref<128xi32, #tpu.memory_space<hbm>>
      %dma_start3A_88 = tpu.memref_slice %arg4[%add3A_86] : memref<327680xi32, #tpu.memory_space<hbm>> -> memref<128xi32, #tpu.memory_space<hbm>>
      tpu.enqueue_dma source(%dma_start3A_88 : memref<128xi32, #tpu.memory_space<hbm>>) target(%arg7 : memref<128xi32, #tpu.memory_space<vmem>>) target_semaphore(%arg13 : memref<!tpu.dma_semaphore, #tpu.memory_space<semaphore_mem>>)
      %mul3A_89 = arith.constant 128 : i32
      %mul3A_90 = arith.muli %add3A_82, %mul3A_89 : i32
      %multiple_of3A_91 = tpu.assume_multiple %mul3A_90, 128 : i32
      %dma_start3A_92 = tpu.memref_slice %arg6[%multiple_of3A_91] : memref<10240xi32, #tpu.memory_space<vmem>> -> memref<128xi32, #tpu.memory_space<vmem>>
      %dma_start3A_93 = arith.constant 0 : i32
      %dma_start3A_94 = arith.constant 0 : i32
      %dma_start3A_95 = tpu.memref_slice %arg2[%dma_start3A_93, %dma_start3A_94] : memref<10000x128xf32, #tpu.memory_space<hbm>> -> memref<10000x128xf32, #tpu.memory_space<hbm>>
      tpu.enqueue_indirect_dma source(%dma_start3A_95 : memref<10000x128xf32, #tpu.memory_space<hbm>>) target(%arg9 : memref<128x128xf32, #tpu.memory_space<vmem>>) offsets(%dma_start3A_92 : memref<128xi32, #tpu.memory_space<vmem>>) semaphore(%arg15 : memref<!tpu.dma_semaphore, #tpu.memory_space<semaphore_mem>>)
      %dma_wait3A_96 = arith.constant 0 : i32
      %dma_wait3A_97 = tpu.memref_slice %arg4[%dma_wait3A_96] : memref<327680xi32, #tpu.memory_space<hbm>> -> memref<128xi32, #tpu.memory_space<hbm>>
      %dma_wait3A_98 = arith.constant 0 : i32
      %dma_wait3A_99 = tpu.memref_slice %arg4[%dma_wait3A_98] : memref<327680xi32, #tpu.memory_space<hbm>> -> memref<128xi32, #tpu.memory_space<hbm>>
      tpu.wait_dma2 semaphore(%arg14 : memref<!tpu.dma_semaphore, #tpu.memory_space<semaphore_mem>>) src(%dma_wait3A_99 : memref<128xi32, #tpu.memory_space<hbm>>) dst(%arg8 : memref<128xi32, #tpu.memory_space<vmem>>)
      %dma_wait3A_100 = arith.constant 0 : i32
      %dma_wait3A_101 = arith.constant 0 : i32
      %dma_wait3A_102 = tpu.memref_slice %arg2[%dma_wait3A_100, %dma_wait3A_101] : memref<10000x128xf32, #tpu.memory_space<hbm>> -> memref<128x128xf32, #tpu.memory_space<hbm>>
      %dma_wait3A_103 = arith.constant 0 : i32
      %dma_wait3A_104 = arith.constant 0 : i32
      %dma_wait3A_105 = tpu.memref_slice %arg2[%dma_wait3A_103, %dma_wait3A_104] : memref<10000x128xf32, #tpu.memory_space<hbm>> -> memref<128x128xf32, #tpu.memory_space<hbm>>
      tpu.wait_dma2 semaphore(%arg16 : memref<!tpu.dma_semaphore, #tpu.memory_space<semaphore_mem>>) src(%dma_wait3A_105 : memref<128x128xf32, #tpu.memory_space<hbm>>) dst(%arg10 : memref<128x128xf32, #tpu.memory_space<vmem>>)
      "tpu.region"() ({
        %run_scoped3A = tpu.sem_alloc : memref<!tpu.dma_semaphore, #tpu.memory_space<semaphore_mem>>
        %dma_start3A_123 = arith.constant 0 : i32
        %dma_start3A_124 = arith.constant 0 : i32
        %dma_start3A_125 = tpu.memref_slice %arg12[%dma_start3A_123, %dma_start3A_124] : memref<10240x128xf32, #tpu.memory_space<vmem_shared>> -> memref<10240x128xf32, #tpu.memory_space<vmem_shared>>
        tpu.enqueue_indirect_dma source(%arg10 : memref<128x128xf32, #tpu.memory_space<vmem>>) target(%dma_start3A_125 : memref<10240x128xf32, #tpu.memory_space<vmem_shared>>) offsets(%arg8 : memref<128xi32, #tpu.memory_space<vmem>>) semaphore(%run_scoped3A : memref<!tpu.dma_semaphore, #tpu.memory_space<semaphore_mem>>) {add = true}
        %dma_wait3A_126 = arith.constant 0 : i32
        %dma_wait3A_127 = arith.constant 0 : i32
        %dma_wait3A_128 = tpu.memref_slice %arg12[%dma_wait3A_126, %dma_wait3A_127] : memref<10240x128xf32, #tpu.memory_space<vmem_shared>> -> memref<10240x128xf32, #tpu.memory_space<vmem_shared>>
        tpu.wait_indirect_dma semaphore(%run_scoped3A : memref<!tpu.dma_semaphore, #tpu.memory_space<semaphore_mem>>) src(%arg10 : memref<128x128xf32, #tpu.memory_space<vmem>>) dst(%dma_wait3A_128 : memref<10240x128xf32, #tpu.memory_space<vmem_shared>>)
        tpu.yield
      }) : () -> ()
      %mul3A_106 = arith.constant 2 : i32
      %mul3A_107 = arith.muli %mul3A_106, %scan3A_68 : i32
      %add3A_108 = arith.constant 3 : i32
      %add3A_109 = arith.addi %mul3A_107, %add3A_108 : i32
      %mul3A_110 = arith.constant 128 : i32
      %mul3A_111 = arith.muli %add3A_109, %mul3A_110 : i32
      %multiple_of3A_112 = tpu.assume_multiple %mul3A_111, 128 : i32
      %add3A_113 = arith.addi %multiple_of3A, %multiple_of3A_112 : i32
      %dma_start3A_114 = tpu.memref_slice %arg4[%add3A_113] : memref<327680xi32, #tpu.memory_space<hbm>> -> memref<128xi32, #tpu.memory_space<hbm>>
      %dma_start3A_115 = tpu.memref_slice %arg4[%add3A_113] : memref<327680xi32, #tpu.memory_space<hbm>> -> memref<128xi32, #tpu.memory_space<hbm>>
      tpu.enqueue_dma source(%dma_start3A_115 : memref<128xi32, #tpu.memory_space<hbm>>) target(%arg8 : memref<128xi32, #tpu.memory_space<vmem>>) target_semaphore(%arg14 : memref<!tpu.dma_semaphore, #tpu.memory_space<semaphore_mem>>)
      %mul3A_116 = arith.constant 128 : i32
      %mul3A_117 = arith.muli %add3A_109, %mul3A_116 : i32
      %multiple_of3A_118 = tpu.assume_multiple %mul3A_117, 128 : i32
      %dma_start3A_119 = tpu.memref_slice %arg6[%multiple_of3A_118] : memref<10240xi32, #tpu.memory_space<vmem>> -> memref<128xi32, #tpu.memory_space<vmem>>
      %dma_start3A_120 = arith.constant 0 : i32
      %dma_start3A_121 = arith.constant 0 : i32
      %dma_start3A_122 = tpu.memref_slice %arg2[%dma_start3A_120, %dma_start3A_121] : memref<10000x128xf32, #tpu.memory_space<hbm>> -> memref<10000x128xf32, #tpu.memory_space<hbm>>
      tpu.enqueue_indirect_dma source(%dma_start3A_122 : memref<10000x128xf32, #tpu.memory_space<hbm>>) target(%arg10 : memref<128x128xf32, #tpu.memory_space<vmem>>) offsets(%dma_start3A_119 : memref<128xi32, #tpu.memory_space<vmem>>) semaphore(%arg16 : memref<!tpu.dma_semaphore, #tpu.memory_space<semaphore_mem>>)
    }
    %scan3A_41 = arith.constant 39 : i32
    %dma_wait3A = arith.constant 0 : i32
    %dma_wait3A_42 = tpu.memref_slice %arg4[%dma_wait3A] : memref<327680xi32, #tpu.memory_space<hbm>> -> memref<128xi32, #tpu.memory_space<hbm>>
    %dma_wait3A_43 = arith.constant 0 : i32
    %dma_wait3A_44 = tpu.memref_slice %arg4[%dma_wait3A_43] : memref<327680xi32, #tpu.memory_space<hbm>> -> memref<128xi32, #tpu.memory_space<hbm>>
    tpu.wait_dma2 semaphore(%arg13 : memref<!tpu.dma_semaphore, #tpu.memory_space<semaphore_mem>>) src(%dma_wait3A_44 : memref<128xi32, #tpu.memory_space<hbm>>) dst(%arg7 : memref<128xi32, #tpu.memory_space<vmem>>)
    %dma_wait3A_45 = arith.constant 0 : i32
    %dma_wait3A_46 = arith.constant 0 : i32
    %dma_wait3A_47 = tpu.memref_slice %arg2[%dma_wait3A_45, %dma_wait3A_46] : memref<10000x128xf32, #tpu.memory_space<hbm>> -> memref<128x128xf32, #tpu.memory_space<hbm>>
    %dma_wait3A_48 = arith.constant 0 : i32
    %dma_wait3A_49 = arith.constant 0 : i32
    %dma_wait3A_50 = tpu.memref_slice %arg2[%dma_wait3A_48, %dma_wait3A_49] : memref<10000x128xf32, #tpu.memory_space<hbm>> -> memref<128x128xf32, #tpu.memory_space<hbm>>
    tpu.wait_dma2 semaphore(%arg15 : memref<!tpu.dma_semaphore, #tpu.memory_space<semaphore_mem>>) src(%dma_wait3A_50 : memref<128x128xf32, #tpu.memory_space<hbm>>) dst(%arg9 : memref<128x128xf32, #tpu.memory_space<vmem>>)
    "tpu.region"() ({
      %run_scoped3A = tpu.sem_alloc : memref<!tpu.dma_semaphore, #tpu.memory_space<semaphore_mem>>
      %dma_start3A_68 = arith.constant 0 : i32
      %dma_start3A_69 = arith.constant 0 : i32
      %dma_start3A_70 = tpu.memref_slice %arg12[%dma_start3A_68, %dma_start3A_69] : memref<10240x128xf32, #tpu.memory_space<vmem_shared>> -> memref<10240x128xf32, #tpu.memory_space<vmem_shared>>
      tpu.enqueue_indirect_dma source(%arg9 : memref<128x128xf32, #tpu.memory_space<vmem>>) target(%dma_start3A_70 : memref<10240x128xf32, #tpu.memory_space<vmem_shared>>) offsets(%arg7 : memref<128xi32, #tpu.memory_space<vmem>>) semaphore(%run_scoped3A : memref<!tpu.dma_semaphore, #tpu.memory_space<semaphore_mem>>) {add = true}
      %dma_wait3A_71 = arith.constant 0 : i32
      %dma_wait3A_72 = arith.constant 0 : i32
      %dma_wait3A_73 = tpu.memref_slice %arg12[%dma_wait3A_71, %dma_wait3A_72] : memref<10240x128xf32, #tpu.memory_space<vmem_shared>> -> memref<10240x128xf32, #tpu.memory_space<vmem_shared>>
      tpu.wait_indirect_dma semaphore(%run_scoped3A : memref<!tpu.dma_semaphore, #tpu.memory_space<semaphore_mem>>) src(%arg9 : memref<128x128xf32, #tpu.memory_space<vmem>>) dst(%dma_wait3A_73 : memref<10240x128xf32, #tpu.memory_space<vmem_shared>>)
      tpu.yield
    }) : () -> ()
    %dma_wait3A_51 = arith.constant 0 : i32
    %dma_wait3A_52 = tpu.memref_slice %arg4[%dma_wait3A_51] : memref<327680xi32, #tpu.memory_space<hbm>> -> memref<128xi32, #tpu.memory_space<hbm>>
    %dma_wait3A_53 = arith.constant 0 : i32
    %dma_wait3A_54 = tpu.memref_slice %arg4[%dma_wait3A_53] : memref<327680xi32, #tpu.memory_space<hbm>> -> memref<128xi32, #tpu.memory_space<hbm>>
    tpu.wait_dma2 semaphore(%arg14 : memref<!tpu.dma_semaphore, #tpu.memory_space<semaphore_mem>>) src(%dma_wait3A_54 : memref<128xi32, #tpu.memory_space<hbm>>) dst(%arg8 : memref<128xi32, #tpu.memory_space<vmem>>)
    %dma_wait3A_55 = arith.constant 0 : i32
    %dma_wait3A_56 = arith.constant 0 : i32
    %dma_wait3A_57 = tpu.memref_slice %arg2[%dma_wait3A_55, %dma_wait3A_56] : memref<10000x128xf32, #tpu.memory_space<hbm>> -> memref<128x128xf32, #tpu.memory_space<hbm>>
    %dma_wait3A_58 = arith.constant 0 : i32
    %dma_wait3A_59 = arith.constant 0 : i32
    %dma_wait3A_60 = tpu.memref_slice %arg2[%dma_wait3A_58, %dma_wait3A_59] : memref<10000x128xf32, #tpu.memory_space<hbm>> -> memref<128x128xf32, #tpu.memory_space<hbm>>
    tpu.wait_dma2 semaphore(%arg16 : memref<!tpu.dma_semaphore, #tpu.memory_space<semaphore_mem>>) src(%dma_wait3A_60 : memref<128x128xf32, #tpu.memory_space<hbm>>) dst(%arg10 : memref<128x128xf32, #tpu.memory_space<vmem>>)
    "tpu.region"() ({
      %run_scoped3A = tpu.sem_alloc : memref<!tpu.dma_semaphore, #tpu.memory_space<semaphore_mem>>
      %dma_start3A_68 = arith.constant 0 : i32
      %dma_start3A_69 = arith.constant 0 : i32
      %dma_start3A_70 = tpu.memref_slice %arg12[%dma_start3A_68, %dma_start3A_69] : memref<10240x128xf32, #tpu.memory_space<vmem_shared>> -> memref<10240x128xf32, #tpu.memory_space<vmem_shared>>
      tpu.enqueue_indirect_dma source(%arg10 : memref<128x128xf32, #tpu.memory_space<vmem>>) target(%dma_start3A_70 : memref<10240x128xf32, #tpu.memory_space<vmem_shared>>) offsets(%arg8 : memref<128xi32, #tpu.memory_space<vmem>>) semaphore(%run_scoped3A : memref<!tpu.dma_semaphore, #tpu.memory_space<semaphore_mem>>) {add = true}
      %dma_wait3A_71 = arith.constant 0 : i32
      %dma_wait3A_72 = arith.constant 0 : i32
      %dma_wait3A_73 = tpu.memref_slice %arg12[%dma_wait3A_71, %dma_wait3A_72] : memref<10240x128xf32, #tpu.memory_space<vmem_shared>> -> memref<10240x128xf32, #tpu.memory_space<vmem_shared>>
      tpu.wait_indirect_dma semaphore(%run_scoped3A : memref<!tpu.dma_semaphore, #tpu.memory_space<semaphore_mem>>) src(%arg10 : memref<128x128xf32, #tpu.memory_space<vmem>>) dst(%dma_wait3A_73 : memref<10240x128xf32, #tpu.memory_space<vmem_shared>>)
      tpu.yield
    }) : () -> ()
    %barrier3A_61 = arith.constant 0 : index
    tpu.barrier barrier_id(%barrier3A_61)
    %scan3A_62 = arith.constant 0 : i32
    %scan3A_63 = arith.constant 0 : i32
    %scan3A_64 = arith.constant 8 : i32
    %scan3A_65 = arith.addi %scan3A_63, %scan3A_64 : i32
    %scan3A_66 = arith.constant 1 : i32
    scf.for %scan3A_68 = %scan3A_63 to %scan3A_65 step %scan3A_66  : i32 {
      %mul3A_69 = arith.constant 16 : i32
      %mul3A_70 = arith.muli %scan3A_68, %mul3A_69 : i32
      %add3A_71 = arith.addi %arg1, %mul3A_70 : i32
      %lt3A = arith.constant 125 : i32
      %lt3A_72 = arith.cmpi slt, %add3A_71, %lt3A : i32
      %convert_element_type3A = arith.extui %lt3A_72 : i1 to i32
      %cond3A = arith.constant 0 : i32
      %cond3A_73 = arith.cmpi ne, %convert_element_type3A, %cond3A : i32
      scf.if %cond3A_73 {
        %mul3A_74 = arith.constant 80 : i32
        %mul3A_75 = arith.muli %add3A_71, %mul3A_74 : i32
        %multiple_of3A_76 = tpu.assume_multiple %mul3A_75, 80 : i32
        %mul3A_77 = arith.constant 10000 : i32
        %mul3A_78 = arith.muli %arg0, %mul3A_77 : i32
        %multiple_of3A_79 = tpu.assume_multiple %mul3A_78, 80 : i32
        %add3A_80 = arith.addi %multiple_of3A_79, %multiple_of3A_76 : i32
        "tpu.region"() ({
          %run_scoped3A = tpu.sem_alloc : memref<!tpu.dma_semaphore, #tpu.memory_space<semaphore_mem>>
          %dma_start3A_81 = arith.constant 0 : i32
          %dma_start3A_82 = tpu.memref_slice %arg5[%add3A_80, %dma_start3A_81] : memref<20000x128xf32, #tpu.memory_space<hbm>> -> memref<80x128xf32, #tpu.memory_space<hbm>>
          %dma_start3A_83 = arith.constant 0 : i32
          %dma_start3A_84 = tpu.memref_slice %arg12[%multiple_of3A_76, %dma_start3A_83] : memref<10240x128xf32, #tpu.memory_space<vmem_shared>> -> memref<80x128xf32, #tpu.memory_space<vmem_shared>>
          tpu.enqueue_dma source(%dma_start3A_84 : memref<80x128xf32, #tpu.memory_space<vmem_shared>>) target(%dma_start3A_82 : memref<80x128xf32, #tpu.memory_space<hbm>>) target_semaphore(%run_scoped3A : memref<!tpu.dma_semaphore, #tpu.memory_space<semaphore_mem>>)
          %dma_wait3A_85 = arith.constant 0 : i32
          %dma_wait3A_86 = tpu.memref_slice %arg5[%add3A_80, %dma_wait3A_85] : memref<20000x128xf32, #tpu.memory_space<hbm>> -> memref<80x128xf32, #tpu.memory_space<hbm>>
          %dma_wait3A_87 = arith.constant 0 : i32
          %dma_wait3A_88 = tpu.memref_slice %arg12[%multiple_of3A_76, %dma_wait3A_87] : memref<10240x128xf32, #tpu.memory_space<vmem_shared>> -> memref<80x128xf32, #tpu.memory_space<vmem_shared>>
          tpu.wait_dma2 semaphore(%run_scoped3A : memref<!tpu.dma_semaphore, #tpu.memory_space<semaphore_mem>>) src(%dma_wait3A_88 : memref<80x128xf32, #tpu.memory_space<vmem_shared>>) dst(%dma_wait3A_86 : memref<80x128xf32, #tpu.memory_space<hbm>>)
          tpu.yield
        }) : () -> ()
      } else {
      }
    }
    %scan3A_67 = arith.constant 8 : i32
    return
  }
}

#map = affine_map<(d0, d1) -> (0, 0)>
#map1 = affine_map<(d0, d1) -> (0)>
module attributes {stable_mosaic.version = 14 : i64} {
  func.func @_sc_gather_segsum(%arg0: i32, %arg1: i32, %arg2: memref<10000x128xf32, #tpu.memory_space<hbm>>, %arg3: memref<327680xi32, #tpu.memory_space<hbm>>, %arg4: memref<327680xi32, #tpu.memory_space<hbm>>, %arg5: memref<20000x128xf32, #tpu.memory_space<hbm>>, %arg6: memref<10240xi32, #tpu.memory_space<vmem>>, %arg7: memref<128xi32, #tpu.memory_space<vmem>>, %arg8: memref<128xi32, #tpu.memory_space<vmem>>, %arg9: memref<128x128xf32, #tpu.memory_space<vmem>>, %arg10: memref<128x128xf32, #tpu.memory_space<vmem>>, %arg11: memref<16x128xf32, #tpu.memory_space<vmem>>, %arg12: memref<10240x128xf32, #tpu.memory_space<vmem_shared>>, %arg13: memref<!tpu.dma_semaphore, #tpu.memory_space<semaphore_mem>>, %arg14: memref<!tpu.dma_semaphore, #tpu.memory_space<semaphore_mem>>, %arg15: memref<!tpu.dma_semaphore, #tpu.memory_space<semaphore_mem>>, %arg16: memref<!tpu.dma_semaphore, #tpu.memory_space<semaphore_mem>>) attributes {dimension_semantics = [#tpu.dimension_semantics<core_parallel>, #tpu.dimension_semantics<subcore_parallel>], iteration_bounds = array<i64: 2, 16>, scalar_prefetch = 0 : i64, scratch_operands = 11 : i64, tpu.core_type = #tpu.core_type<sc_vector_subcore>, window_params = [{transform_indices = #map}, {transform_indices = #map1}, {transform_indices = #map1}, {transform_indices = #map}]} {
    %mul3A = arith.constant 2 : i32
    %mul3A_0 = arith.muli %arg1, %mul3A : i32
    %add3A = arith.addi %mul3A_0, %arg0 : i32
    %mul3A_1 = arith.constant 10240 : i32
    %mul3A_2 = arith.muli %add3A, %mul3A_1 : i32
    %multiple_of3A = tpu.assume_multiple %mul3A_2, 10240 : i32
    "tpu.region"() ({
      %run_scoped3A = tpu.sem_alloc : memref<!tpu.dma_semaphore, #tpu.memory_space<semaphore_mem>>
      %dma_start3A_68 = tpu.memref_slice %arg3[%multiple_of3A] : memref<327680xi32, #tpu.memory_space<hbm>> -> memref<10240xi32, #tpu.memory_space<hbm>>
      %dma_start3A_69 = tpu.memref_slice %arg3[%multiple_of3A] : memref<327680xi32, #tpu.memory_space<hbm>> -> memref<10240xi32, #tpu.memory_space<hbm>>
      tpu.enqueue_dma source(%dma_start3A_69 : memref<10240xi32, #tpu.memory_space<hbm>>) target(%arg6 : memref<10240xi32, #tpu.memory_space<vmem>>) target_semaphore(%run_scoped3A : memref<!tpu.dma_semaphore, #tpu.memory_space<semaphore_mem>>)
      %dma_wait3A_70 = tpu.memref_slice %arg3[%multiple_of3A] : memref<327680xi32, #tpu.memory_space<hbm>> -> memref<10240xi32, #tpu.memory_space<hbm>>
      %dma_wait3A_71 = tpu.memref_slice %arg3[%multiple_of3A] : memref<327680xi32, #tpu.memory_space<hbm>> -> memref<10240xi32, #tpu.memory_space<hbm>>
      tpu.wait_dma2 semaphore(%run_scoped3A : memref<!tpu.dma_semaphore, #tpu.memory_space<semaphore_mem>>) src(%dma_wait3A_71 : memref<10240xi32, #tpu.memory_space<hbm>>) dst(%arg6 : memref<10240xi32, #tpu.memory_space<vmem>>)
      tpu.yield
    }) : () -> ()
    %multiple_of3A_3 = arith.constant 0 : i32
    %multiple_of3A_4 = tpu.assume_multiple %multiple_of3A_3, 128 : i32
    %add3A_5 = arith.addi %multiple_of3A, %multiple_of3A_4 : i32
    %dma_start3A = tpu.memref_slice %arg4[%add3A_5] : memref<327680xi32, #tpu.memory_space<hbm>> -> memref<128xi32, #tpu.memory_space<hbm>>
    %dma_start3A_6 = tpu.memref_slice %arg4[%add3A_5] : memref<327680xi32, #tpu.memory_space<hbm>> -> memref<128xi32, #tpu.memory_space<hbm>>
    tpu.enqueue_dma source(%dma_start3A_6 : memref<128xi32, #tpu.memory_space<hbm>>) target(%arg7 : memref<128xi32, #tpu.memory_space<vmem>>) target_semaphore(%arg13 : memref<!tpu.dma_semaphore, #tpu.memory_space<semaphore_mem>>)
    %multiple_of3A_7 = arith.constant 0 : i32
    %multiple_of3A_8 = tpu.assume_multiple %multiple_of3A_7, 128 : i32
    %dma_start3A_9 = tpu.memref_slice %arg6[%multiple_of3A_8] : memref<10240xi32, #tpu.memory_space<vmem>> -> memref<128xi32, #tpu.memory_space<vmem>>
    %dma_start3A_10 = arith.constant 0 : i32
    %dma_start3A_11 = arith.constant 0 : i32
    %dma_start3A_12 = tpu.memref_slice %arg2[%dma_start3A_10, %dma_start3A_11] : memref<10000x128xf32, #tpu.memory_space<hbm>> -> memref<10000x128xf32, #tpu.memory_space<hbm>>
    tpu.enqueue_indirect_dma source(%dma_start3A_12 : memref<10000x128xf32, #tpu.memory_space<hbm>>) target(%arg9 : memref<128x128xf32, #tpu.memory_space<vmem>>) offsets(%dma_start3A_9 : memref<128xi32, #tpu.memory_space<vmem>>) semaphore(%arg15 : memref<!tpu.dma_semaphore, #tpu.memory_space<semaphore_mem>>)
    %multiple_of3A_13 = arith.constant 128 : i32
    %multiple_of3A_14 = tpu.assume_multiple %multiple_of3A_13, 128 : i32
    %add3A_15 = arith.addi %multiple_of3A, %multiple_of3A_14 : i32
    %dma_start3A_16 = tpu.memref_slice %arg4[%add3A_15] : memref<327680xi32, #tpu.memory_space<hbm>> -> memref<128xi32, #tpu.memory_space<hbm>>
    %dma_start3A_17 = tpu.memref_slice %arg4[%add3A_15] : memref<327680xi32, #tpu.memory_space<hbm>> -> memref<128xi32, #tpu.memory_space<hbm>>
    tpu.enqueue_dma source(%dma_start3A_17 : memref<128xi32, #tpu.memory_space<hbm>>) target(%arg8 : memref<128xi32, #tpu.memory_space<vmem>>) target_semaphore(%arg14 : memref<!tpu.dma_semaphore, #tpu.memory_space<semaphore_mem>>)
    %multiple_of3A_18 = arith.constant 128 : i32
    %multiple_of3A_19 = tpu.assume_multiple %multiple_of3A_18, 128 : i32
    %dma_start3A_20 = tpu.memref_slice %arg6[%multiple_of3A_19] : memref<10240xi32, #tpu.memory_space<vmem>> -> memref<128xi32, #tpu.memory_space<vmem>>
    %dma_start3A_21 = arith.constant 0 : i32
    %dma_start3A_22 = arith.constant 0 : i32
    %dma_start3A_23 = tpu.memref_slice %arg2[%dma_start3A_21, %dma_start3A_22] : memref<10000x128xf32, #tpu.memory_space<hbm>> -> memref<10000x128xf32, #tpu.memory_space<hbm>>
    tpu.enqueue_indirect_dma source(%dma_start3A_23 : memref<10000x128xf32, #tpu.memory_space<hbm>>) target(%arg10 : memref<128x128xf32, #tpu.memory_space<vmem>>) offsets(%dma_start3A_20 : memref<128xi32, #tpu.memory_space<vmem>>) semaphore(%arg16 : memref<!tpu.dma_semaphore, #tpu.memory_space<semaphore_mem>>)
    %broadcast_in_dim3A = arith.constant 0.000000e+00 : f32
    %broadcast_in_dim3A_24 = vector.broadcast %broadcast_in_dim3A : f32 to vector<16xf32>
    %scan3A = arith.constant 0 : i32
    %scan3A_25 = arith.constant 0 : i32
    %scan3A_26 = arith.constant 16 : i32
    %scan3A_27 = arith.addi %scan3A_25, %scan3A_26 : i32
    %scan3A_28 = arith.constant 1 : i32
    scf.for %scan3A_68 = %scan3A_25 to %scan3A_27 step %scan3A_28  : i32 {
      %swap3A = arith.index_cast %scan3A_68 : i32 to index
      %swap3A_69 = arith.constant 0 : index
      %swap3A_70 = tpu.vector_load %arg11[%swap3A, %swap3A_69] {strides = array<i32>} : memref<16x128xf32, #tpu.memory_space<vmem>>, vector<1x16xf32>,
      %swap3A_71 = vector.shape_cast %swap3A_70 : vector<1x16xf32> to vector<16xf32>
      %swap3A_72 = vector.shape_cast %broadcast_in_dim3A_24 : vector<16xf32> to vector<1x16xf32>
      tpu.vector_store %arg11[%swap3A, %swap3A_69], %swap3A_72 {strides = array<i32>} : memref<16x128xf32, #tpu.memory_space<vmem>>, vector<1x16xf32>,
      %swap3A_73 = arith.index_cast %scan3A_68 : i32 to index
      %swap3A_74 = arith.constant 16 : index
      %swap3A_75 = tpu.vector_load %arg11[%swap3A_73, %swap3A_74] {strides = array<i32>} : memref<16x128xf32, #tpu.memory_space<vmem>>, vector<1x16xf32>,
      %swap3A_76 = vector.shape_cast %swap3A_75 : vector<1x16xf32> to vector<16xf32>
      %swap3A_77 = vector.shape_cast %broadcast_in_dim3A_24 : vector<16xf32> to vector<1x16xf32>
      tpu.vector_store %arg11[%swap3A_73, %swap3A_74], %swap3A_77 {strides = array<i32>} : memref<16x128xf32, #tpu.memory_space<vmem>>, vector<1x16xf32>,
      %swap3A_78 = arith.index_cast %scan3A_68 : i32 to index
      %swap3A_79 = arith.constant 32 : index
      %swap3A_80 = tpu.vector_load %arg11[%swap3A_78, %swap3A_79] {strides = array<i32>} : memref<16x128xf32, #tpu.memory_space<vmem>>, vector<1x16xf32>,
      %swap3A_81 = vector.shape_cast %swap3A_80 : vector<1x16xf32> to vector<16xf32>
      %swap3A_82 = vector.shape_cast %broadcast_in_dim3A_24 : vector<16xf32> to vector<1x16xf32>
      tpu.vector_store %arg11[%swap3A_78, %swap3A_79], %swap3A_82 {strides = array<i32>} : memref<16x128xf32, #tpu.memory_space<vmem>>, vector<1x16xf32>,
      %swap3A_83 = arith.index_cast %scan3A_68 : i32 to index
      %swap3A_84 = arith.constant 48 : index
      %swap3A_85 = tpu.vector_load %arg11[%swap3A_83, %swap3A_84] {strides = array<i32>} : memref<16x128xf32, #tpu.memory_space<vmem>>, vector<1x16xf32>,
      %swap3A_86 = vector.shape_cast %swap3A_85 : vector<1x16xf32> to vector<16xf32>
      %swap3A_87 = vector.shape_cast %broadcast_in_dim3A_24 : vector<16xf32> to vector<1x16xf32>
      tpu.vector_store %arg11[%swap3A_83, %swap3A_84], %swap3A_87 {strides = array<i32>} : memref<16x128xf32, #tpu.memory_space<vmem>>, vector<1x16xf32>,
      %swap3A_88 = arith.index_cast %scan3A_68 : i32 to index
      %swap3A_89 = arith.constant 64 : index
      %swap3A_90 = tpu.vector_load %arg11[%swap3A_88, %swap3A_89] {strides = array<i32>} : memref<16x128xf32, #tpu.memory_space<vmem>>, vector<1x16xf32>,
      %swap3A_91 = vector.shape_cast %swap3A_90 : vector<1x16xf32> to vector<16xf32>
      %swap3A_92 = vector.shape_cast %broadcast_in_dim3A_24 : vector<16xf32> to vector<1x16xf32>
      tpu.vector_store %arg11[%swap3A_88, %swap3A_89], %swap3A_92 {strides = array<i32>} : memref<16x128xf32, #tpu.memory_space<vmem>>, vector<1x16xf32>,
      %swap3A_93 = arith.index_cast %scan3A_68 : i32 to index
      %swap3A_94 = arith.constant 80 : index
      %swap3A_95 = tpu.vector_load %arg11[%swap3A_93, %swap3A_94] {strides = array<i32>} : memref<16x128xf32, #tpu.memory_space<vmem>>, vector<1x16xf32>,
      %swap3A_96 = vector.shape_cast %swap3A_95 : vector<1x16xf32> to vector<16xf32>
      %swap3A_97 = vector.shape_cast %broadcast_in_dim3A_24 : vector<16xf32> to vector<1x16xf32>
      tpu.vector_store %arg11[%swap3A_93, %swap3A_94], %swap3A_97 {strides = array<i32>} : memref<16x128xf32, #tpu.memory_space<vmem>>, vector<1x16xf32>,
      %swap3A_98 = arith.index_cast %scan3A_68 : i32 to index
      %swap3A_99 = arith.constant 96 : index
      %swap3A_100 = tpu.vector_load %arg11[%swap3A_98, %swap3A_99] {strides = array<i32>} : memref<16x128xf32, #tpu.memory_space<vmem>>, vector<1x16xf32>,
      %swap3A_101 = vector.shape_cast %swap3A_100 : vector<1x16xf32> to vector<16xf32>
      %swap3A_102 = vector.shape_cast %broadcast_in_dim3A_24 : vector<16xf32> to vector<1x16xf32>
      tpu.vector_store %arg11[%swap3A_98, %swap3A_99], %swap3A_102 {strides = array<i32>} : memref<16x128xf32, #tpu.memory_space<vmem>>, vector<1x16xf32>,
      %swap3A_103 = arith.index_cast %scan3A_68 : i32 to index
      %swap3A_104 = arith.constant 112 : index
      %swap3A_105 = tpu.vector_load %arg11[%swap3A_103, %swap3A_104] {strides = array<i32>} : memref<16x128xf32, #tpu.memory_space<vmem>>, vector<1x16xf32>,
      %swap3A_106 = vector.shape_cast %swap3A_105 : vector<1x16xf32> to vector<16xf32>
      %swap3A_107 = vector.shape_cast %broadcast_in_dim3A_24 : vector<16xf32> to vector<1x16xf32>
      tpu.vector_store %arg11[%swap3A_103, %swap3A_104], %swap3A_107 {strides = array<i32>} : memref<16x128xf32, #tpu.memory_space<vmem>>, vector<1x16xf32>,
    }
    %scan3A_29 = arith.constant 16 : i32
    %scan3A_30 = arith.constant 0 : i32
    %scan3A_31 = arith.constant 0 : i32
    %scan3A_32 = arith.constant 40 : i32
    %scan3A_33 = arith.addi %scan3A_31, %scan3A_32 : i32
    %scan3A_34 = arith.constant 1 : i32
    scf.for %scan3A_68 = %scan3A_31 to %scan3A_33 step %scan3A_34  : i32 {
      %mul3A_69 = arith.constant 16 : i32
      %mul3A_70 = arith.muli %scan3A_68, %mul3A_69 : i32
      %add3A_71 = arith.addi %arg1, %mul3A_70 : i32
      %mul3A_72 = arith.constant 16 : i32
      %mul3A_73 = arith.muli %add3A_71, %mul3A_72 : i32
      %multiple_of3A_74 = tpu.assume_multiple %mul3A_73, 16 : i32
      "tpu.region"() ({
        %run_scoped3A = tpu.sem_alloc : memref<!tpu.dma_semaphore, #tpu.memory_space<semaphore_mem>>
        %dma_start3A_75 = arith.constant 0 : i32
        %dma_start3A_76 = tpu.memref_slice %arg12[%multiple_of3A_74, %dma_start3A_75] : memref<10240x128xf32, #tpu.memory_space<vmem_shared>> -> memref<16x128xf32, #tpu.memory_space<vmem_shared>>
        %dma_start3A_77 = arith.constant 0 : i32
        %dma_start3A_78 = tpu.memref_slice %arg12[%multiple_of3A_74, %dma_start3A_77] : memref<10240x128xf32, #tpu.memory_space<vmem_shared>> -> memref<16x128xf32, #tpu.memory_space<vmem_shared>>
        tpu.enqueue_dma source(%arg11 : memref<16x128xf32, #tpu.memory_space<vmem>>) target(%dma_start3A_78 : memref<16x128xf32, #tpu.memory_space<vmem_shared>>) target_semaphore(%run_scoped3A : memref<!tpu.dma_semaphore, #tpu.memory_space<semaphore_mem>>)
        %dma_wait3A_79 = arith.constant 0 : i32
        %dma_wait3A_80 = tpu.memref_slice %arg12[%multiple_of3A_74, %dma_wait3A_79] : memref<10240x128xf32, #tpu.memory_space<vmem_shared>> -> memref<16x128xf32, #tpu.memory_space<vmem_shared>>
        %dma_wait3A_81 = arith.constant 0 : i32
        %dma_wait3A_82 = tpu.memref_slice %arg12[%multiple_of3A_74, %dma_wait3A_81] : memref<10240x128xf32, #tpu.memory_space<vmem_shared>> -> memref<16x128xf32, #tpu.memory_space<vmem_shared>>
        tpu.wait_dma2 semaphore(%run_scoped3A : memref<!tpu.dma_semaphore, #tpu.memory_space<semaphore_mem>>) src(%arg11 : memref<16x128xf32, #tpu.memory_space<vmem>>) dst(%dma_wait3A_82 : memref<16x128xf32, #tpu.memory_space<vmem_shared>>)
        tpu.yield
      }) : () -> ()
    }
    %scan3A_35 = arith.constant 40 : i32
    %barrier3A = arith.constant 0 : index
    tpu.barrier barrier_id(%barrier3A)
    %scan3A_36 = arith.constant 0 : i32
    %scan3A_37 = arith.constant 0 : i32
    %scan3A_38 = arith.constant 39 : i32
    %scan3A_39 = arith.addi %scan3A_37, %scan3A_38 : i32
    %scan3A_40 = arith.constant 1 : i32
    scf.for %scan3A_68 = %scan3A_37 to %scan3A_39 step %scan3A_40  : i32 {
      %dma_wait3A_69 = arith.constant 0 : i32
      %dma_wait3A_70 = tpu.memref_slice %arg4[%dma_wait3A_69] : memref<327680xi32, #tpu.memory_space<hbm>> -> memref<128xi32, #tpu.memory_space<hbm>>
      %dma_wait3A_71 = arith.constant 0 : i32
      %dma_wait3A_72 = tpu.memref_slice %arg4[%dma_wait3A_71] : memref<327680xi32, #tpu.memory_space<hbm>> -> memref<128xi32, #tpu.memory_space<hbm>>
      tpu.wait_dma2 semaphore(%arg13 : memref<!tpu.dma_semaphore, #tpu.memory_space<semaphore_mem>>) src(%dma_wait3A_72 : memref<128xi32, #tpu.memory_space<hbm>>) dst(%arg7 : memref<128xi32, #tpu.memory_space<vmem>>)
      %dma_wait3A_73 = arith.constant 0 : i32
      %dma_wait3A_74 = arith.constant 0 : i32
      %dma_wait3A_75 = tpu.memref_slice %arg2[%dma_wait3A_73, %dma_wait3A_74] : memref<10000x128xf32, #tpu.memory_space<hbm>> -> memref<128x128xf32, #tpu.memory_space<hbm>>
      %dma_wait3A_76 = arith.constant 0 : i32
      %dma_wait3A_77 = arith.constant 0 : i32
      %dma_wait3A_78 = tpu.memref_slice %arg2[%dma_wait3A_76, %dma_wait3A_77] : memref<10000x128xf32, #tpu.memory_space<hbm>> -> memref<128x128xf32, #tpu.memory_space<hbm>>
      tpu.wait_dma2 semaphore(%arg15 : memref<!tpu.dma_semaphore, #tpu.memory_space<semaphore_mem>>) src(%dma_wait3A_78 : memref<128x128xf32, #tpu.memory_space<hbm>>) dst(%arg9 : memref<128x128xf32, #tpu.memory_space<vmem>>)
      "tpu.region"() ({
        %run_scoped3A = tpu.sem_alloc : memref<!tpu.dma_semaphore, #tpu.memory_space<semaphore_mem>>
        %dma_start3A_123 = arith.constant 0 : i32
        %dma_start3A_124 = arith.constant 0 : i32
        %dma_start3A_125 = tpu.memref_slice %arg12[%dma_start3A_123, %dma_start3A_124] : memref<10240x128xf32, #tpu.memory_space<vmem_shared>> -> memref<10240x128xf32, #tpu.memory_space<vmem_shared>>
        tpu.enqueue_indirect_dma source(%arg9 : memref<128x128xf32, #tpu.memory_space<vmem>>) target(%dma_start3A_125 : memref<10240x128xf32, #tpu.memory_space<vmem_shared>>) offsets(%arg7 : memref<128xi32, #tpu.memory_space<vmem>>) semaphore(%run_scoped3A : memref<!tpu.dma_semaphore, #tpu.memory_space<semaphore_mem>>) {add = true}
        %dma_wait3A_126 = arith.constant 0 : i32
        %dma_wait3A_127 = arith.constant 0 : i32
        %dma_wait3A_128 = tpu.memref_slice %arg12[%dma_wait3A_126, %dma_wait3A_127] : memref<10240x128xf32, #tpu.memory_space<vmem_shared>> -> memref<10240x128xf32, #tpu.memory_space<vmem_shared>>
        tpu.wait_indirect_dma semaphore(%run_scoped3A : memref<!tpu.dma_semaphore, #tpu.memory_space<semaphore_mem>>) src(%arg9 : memref<128x128xf32, #tpu.memory_space<vmem>>) dst(%dma_wait3A_128 : memref<10240x128xf32, #tpu.memory_space<vmem_shared>>)
        tpu.yield
      }) : () -> ()
      %mul3A_79 = arith.constant 2 : i32
      %mul3A_80 = arith.muli %mul3A_79, %scan3A_68 : i32
      %add3A_81 = arith.constant 2 : i32
      %add3A_82 = arith.addi %mul3A_80, %add3A_81 : i32
      %mul3A_83 = arith.constant 128 : i32
      %mul3A_84 = arith.muli %add3A_82, %mul3A_83 : i32
      %multiple_of3A_85 = tpu.assume_multiple %mul3A_84, 128 : i32
      %add3A_86 = arith.addi %multiple_of3A, %multiple_of3A_85 : i32
      %dma_start3A_87 = tpu.memref_slice %arg4[%add3A_86] : memref<327680xi32, #tpu.memory_space<hbm>> -> memref<128xi32, #tpu.memory_space<hbm>>
      %dma_start3A_88 = tpu.memref_slice %arg4[%add3A_86] : memref<327680xi32, #tpu.memory_space<hbm>> -> memref<128xi32, #tpu.memory_space<hbm>>
      tpu.enqueue_dma source(%dma_start3A_88 : memref<128xi32, #tpu.memory_space<hbm>>) target(%arg7 : memref<128xi32, #tpu.memory_space<vmem>>) target_semaphore(%arg13 : memref<!tpu.dma_semaphore, #tpu.memory_space<semaphore_mem>>)
      %mul3A_89 = arith.constant 128 : i32
      %mul3A_90 = arith.muli %add3A_82, %mul3A_89 : i32
      %multiple_of3A_91 = tpu.assume_multiple %mul3A_90, 128 : i32
      %dma_start3A_92 = tpu.memref_slice %arg6[%multiple_of3A_91] : memref<10240xi32, #tpu.memory_space<vmem>> -> memref<128xi32, #tpu.memory_space<vmem>>
      %dma_start3A_93 = arith.constant 0 : i32
      %dma_start3A_94 = arith.constant 0 : i32
      %dma_start3A_95 = tpu.memref_slice %arg2[%dma_start3A_93, %dma_start3A_94] : memref<10000x128xf32, #tpu.memory_space<hbm>> -> memref<10000x128xf32, #tpu.memory_space<hbm>>
      tpu.enqueue_indirect_dma source(%dma_start3A_95 : memref<10000x128xf32, #tpu.memory_space<hbm>>) target(%arg9 : memref<128x128xf32, #tpu.memory_space<vmem>>) offsets(%dma_start3A_92 : memref<128xi32, #tpu.memory_space<vmem>>) semaphore(%arg15 : memref<!tpu.dma_semaphore, #tpu.memory_space<semaphore_mem>>)
      %dma_wait3A_96 = arith.constant 0 : i32
      %dma_wait3A_97 = tpu.memref_slice %arg4[%dma_wait3A_96] : memref<327680xi32, #tpu.memory_space<hbm>> -> memref<128xi32, #tpu.memory_space<hbm>>
      %dma_wait3A_98 = arith.constant 0 : i32
      %dma_wait3A_99 = tpu.memref_slice %arg4[%dma_wait3A_98] : memref<327680xi32, #tpu.memory_space<hbm>> -> memref<128xi32, #tpu.memory_space<hbm>>
      tpu.wait_dma2 semaphore(%arg14 : memref<!tpu.dma_semaphore, #tpu.memory_space<semaphore_mem>>) src(%dma_wait3A_99 : memref<128xi32, #tpu.memory_space<hbm>>) dst(%arg8 : memref<128xi32, #tpu.memory_space<vmem>>)
      %dma_wait3A_100 = arith.constant 0 : i32
      %dma_wait3A_101 = arith.constant 0 : i32
      %dma_wait3A_102 = tpu.memref_slice %arg2[%dma_wait3A_100, %dma_wait3A_101] : memref<10000x128xf32, #tpu.memory_space<hbm>> -> memref<128x128xf32, #tpu.memory_space<hbm>>
      %dma_wait3A_103 = arith.constant 0 : i32
      %dma_wait3A_104 = arith.constant 0 : i32
      %dma_wait3A_105 = tpu.memref_slice %arg2[%dma_wait3A_103, %dma_wait3A_104] : memref<10000x128xf32, #tpu.memory_space<hbm>> -> memref<128x128xf32, #tpu.memory_space<hbm>>
      tpu.wait_dma2 semaphore(%arg16 : memref<!tpu.dma_semaphore, #tpu.memory_space<semaphore_mem>>) src(%dma_wait3A_105 : memref<128x128xf32, #tpu.memory_space<hbm>>) dst(%arg10 : memref<128x128xf32, #tpu.memory_space<vmem>>)
      "tpu.region"() ({
        %run_scoped3A = tpu.sem_alloc : memref<!tpu.dma_semaphore, #tpu.memory_space<semaphore_mem>>
        %dma_start3A_123 = arith.constant 0 : i32
        %dma_start3A_124 = arith.constant 0 : i32
        %dma_start3A_125 = tpu.memref_slice %arg12[%dma_start3A_123, %dma_start3A_124] : memref<10240x128xf32, #tpu.memory_space<vmem_shared>> -> memref<10240x128xf32, #tpu.memory_space<vmem_shared>>
        tpu.enqueue_indirect_dma source(%arg10 : memref<128x128xf32, #tpu.memory_space<vmem>>) target(%dma_start3A_125 : memref<10240x128xf32, #tpu.memory_space<vmem_shared>>) offsets(%arg8 : memref<128xi32, #tpu.memory_space<vmem>>) semaphore(%run_scoped3A : memref<!tpu.dma_semaphore, #tpu.memory_space<semaphore_mem>>) {add = true}
        %dma_wait3A_126 = arith.constant 0 : i32
        %dma_wait3A_127 = arith.constant 0 : i32
        %dma_wait3A_128 = tpu.memref_slice %arg12[%dma_wait3A_126, %dma_wait3A_127] : memref<10240x128xf32, #tpu.memory_space<vmem_shared>> -> memref<10240x128xf32, #tpu.memory_space<vmem_shared>>
        tpu.wait_indirect_dma semaphore(%run_scoped3A : memref<!tpu.dma_semaphore, #tpu.memory_space<semaphore_mem>>) src(%arg10 : memref<128x128xf32, #tpu.memory_space<vmem>>) dst(%dma_wait3A_128 : memref<10240x128xf32, #tpu.memory_space<vmem_shared>>)
        tpu.yield
      }) : () -> ()
      %mul3A_106 = arith.constant 2 : i32
      %mul3A_107 = arith.muli %mul3A_106, %scan3A_68 : i32
      %add3A_108 = arith.constant 3 : i32
      %add3A_109 = arith.addi %mul3A_107, %add3A_108 : i32
      %mul3A_110 = arith.constant 128 : i32
      %mul3A_111 = arith.muli %add3A_109, %mul3A_110 : i32
      %multiple_of3A_112 = tpu.assume_multiple %mul3A_111, 128 : i32
      %add3A_113 = arith.addi %multiple_of3A, %multiple_of3A_112 : i32
      %dma_start3A_114 = tpu.memref_slice %arg4[%add3A_113] : memref<327680xi32, #tpu.memory_space<hbm>> -> memref<128xi32, #tpu.memory_space<hbm>>
      %dma_start3A_115 = tpu.memref_slice %arg4[%add3A_113] : memref<327680xi32, #tpu.memory_space<hbm>> -> memref<128xi32, #tpu.memory_space<hbm>>
      tpu.enqueue_dma source(%dma_start3A_115 : memref<128xi32, #tpu.memory_space<hbm>>) target(%arg8 : memref<128xi32, #tpu.memory_space<vmem>>) target_semaphore(%arg14 : memref<!tpu.dma_semaphore, #tpu.memory_space<semaphore_mem>>)
      %mul3A_116 = arith.constant 128 : i32
      %mul3A_117 = arith.muli %add3A_109, %mul3A_116 : i32
      %multiple_of3A_118 = tpu.assume_multiple %mul3A_117, 128 : i32
      %dma_start3A_119 = tpu.memref_slice %arg6[%multiple_of3A_118] : memref<10240xi32, #tpu.memory_space<vmem>> -> memref<128xi32, #tpu.memory_space<vmem>>
      %dma_start3A_120 = arith.constant 0 : i32
      %dma_start3A_121 = arith.constant 0 : i32
      %dma_start3A_122 = tpu.memref_slice %arg2[%dma_start3A_120, %dma_start3A_121] : memref<10000x128xf32, #tpu.memory_space<hbm>> -> memref<10000x128xf32, #tpu.memory_space<hbm>>
      tpu.enqueue_indirect_dma source(%dma_start3A_122 : memref<10000x128xf32, #tpu.memory_space<hbm>>) target(%arg10 : memref<128x128xf32, #tpu.memory_space<vmem>>) offsets(%dma_start3A_119 : memref<128xi32, #tpu.memory_space<vmem>>) semaphore(%arg16 : memref<!tpu.dma_semaphore, #tpu.memory_space<semaphore_mem>>)
    }
    %scan3A_41 = arith.constant 39 : i32
    %dma_wait3A = arith.constant 0 : i32
    %dma_wait3A_42 = tpu.memref_slice %arg4[%dma_wait3A] : memref<327680xi32, #tpu.memory_space<hbm>> -> memref<128xi32, #tpu.memory_space<hbm>>
    %dma_wait3A_43 = arith.constant 0 : i32
    %dma_wait3A_44 = tpu.memref_slice %arg4[%dma_wait3A_43] : memref<327680xi32, #tpu.memory_space<hbm>> -> memref<128xi32, #tpu.memory_space<hbm>>
    tpu.wait_dma2 semaphore(%arg13 : memref<!tpu.dma_semaphore, #tpu.memory_space<semaphore_mem>>) src(%dma_wait3A_44 : memref<128xi32, #tpu.memory_space<hbm>>) dst(%arg7 : memref<128xi32, #tpu.memory_space<vmem>>)
    %dma_wait3A_45 = arith.constant 0 : i32
    %dma_wait3A_46 = arith.constant 0 : i32
    %dma_wait3A_47 = tpu.memref_slice %arg2[%dma_wait3A_45, %dma_wait3A_46] : memref<10000x128xf32, #tpu.memory_space<hbm>> -> memref<128x128xf32, #tpu.memory_space<hbm>>
    %dma_wait3A_48 = arith.constant 0 : i32
    %dma_wait3A_49 = arith.constant 0 : i32
    %dma_wait3A_50 = tpu.memref_slice %arg2[%dma_wait3A_48, %dma_wait3A_49] : memref<10000x128xf32, #tpu.memory_space<hbm>> -> memref<128x128xf32, #tpu.memory_space<hbm>>
    tpu.wait_dma2 semaphore(%arg15 : memref<!tpu.dma_semaphore, #tpu.memory_space<semaphore_mem>>) src(%dma_wait3A_50 : memref<128x128xf32, #tpu.memory_space<hbm>>) dst(%arg9 : memref<128x128xf32, #tpu.memory_space<vmem>>)
    "tpu.region"() ({
      %run_scoped3A = tpu.sem_alloc : memref<!tpu.dma_semaphore, #tpu.memory_space<semaphore_mem>>
      %dma_start3A_68 = arith.constant 0 : i32
      %dma_start3A_69 = arith.constant 0 : i32
      %dma_start3A_70 = tpu.memref_slice %arg12[%dma_start3A_68, %dma_start3A_69] : memref<10240x128xf32, #tpu.memory_space<vmem_shared>> -> memref<10240x128xf32, #tpu.memory_space<vmem_shared>>
      tpu.enqueue_indirect_dma source(%arg9 : memref<128x128xf32, #tpu.memory_space<vmem>>) target(%dma_start3A_70 : memref<10240x128xf32, #tpu.memory_space<vmem_shared>>) offsets(%arg7 : memref<128xi32, #tpu.memory_space<vmem>>) semaphore(%run_scoped3A : memref<!tpu.dma_semaphore, #tpu.memory_space<semaphore_mem>>) {add = true}
      %dma_wait3A_71 = arith.constant 0 : i32
      %dma_wait3A_72 = arith.constant 0 : i32
      %dma_wait3A_73 = tpu.memref_slice %arg12[%dma_wait3A_71, %dma_wait3A_72] : memref<10240x128xf32, #tpu.memory_space<vmem_shared>> -> memref<10240x128xf32, #tpu.memory_space<vmem_shared>>
      tpu.wait_indirect_dma semaphore(%run_scoped3A : memref<!tpu.dma_semaphore, #tpu.memory_space<semaphore_mem>>) src(%arg9 : memref<128x128xf32, #tpu.memory_space<vmem>>) dst(%dma_wait3A_73 : memref<10240x128xf32, #tpu.memory_space<vmem_shared>>)
      tpu.yield
    }) : () -> ()
    %dma_wait3A_51 = arith.constant 0 : i32
    %dma_wait3A_52 = tpu.memref_slice %arg4[%dma_wait3A_51] : memref<327680xi32, #tpu.memory_space<hbm>> -> memref<128xi32, #tpu.memory_space<hbm>>
    %dma_wait3A_53 = arith.constant 0 : i32
    %dma_wait3A_54 = tpu.memref_slice %arg4[%dma_wait3A_53] : memref<327680xi32, #tpu.memory_space<hbm>> -> memref<128xi32, #tpu.memory_space<hbm>>
    tpu.wait_dma2 semaphore(%arg14 : memref<!tpu.dma_semaphore, #tpu.memory_space<semaphore_mem>>) src(%dma_wait3A_54 : memref<128xi32, #tpu.memory_space<hbm>>) dst(%arg8 : memref<128xi32, #tpu.memory_space<vmem>>)
    %dma_wait3A_55 = arith.constant 0 : i32
    %dma_wait3A_56 = arith.constant 0 : i32
    %dma_wait3A_57 = tpu.memref_slice %arg2[%dma_wait3A_55, %dma_wait3A_56] : memref<10000x128xf32, #tpu.memory_space<hbm>> -> memref<128x128xf32, #tpu.memory_space<hbm>>
    %dma_wait3A_58 = arith.constant 0 : i32
    %dma_wait3A_59 = arith.constant 0 : i32
    %dma_wait3A_60 = tpu.memref_slice %arg2[%dma_wait3A_58, %dma_wait3A_59] : memref<10000x128xf32, #tpu.memory_space<hbm>> -> memref<128x128xf32, #tpu.memory_space<hbm>>
    tpu.wait_dma2 semaphore(%arg16 : memref<!tpu.dma_semaphore, #tpu.memory_space<semaphore_mem>>) src(%dma_wait3A_60 : memref<128x128xf32, #tpu.memory_space<hbm>>) dst(%arg10 : memref<128x128xf32, #tpu.memory_space<vmem>>)
    "tpu.region"() ({
      %run_scoped3A = tpu.sem_alloc : memref<!tpu.dma_semaphore, #tpu.memory_space<semaphore_mem>>
      %dma_start3A_68 = arith.constant 0 : i32
      %dma_start3A_69 = arith.constant 0 : i32
      %dma_start3A_70 = tpu.memref_slice %arg12[%dma_start3A_68, %dma_start3A_69] : memref<10240x128xf32, #tpu.memory_space<vmem_shared>> -> memref<10240x128xf32, #tpu.memory_space<vmem_shared>>
      tpu.enqueue_indirect_dma source(%arg10 : memref<128x128xf32, #tpu.memory_space<vmem>>) target(%dma_start3A_70 : memref<10240x128xf32, #tpu.memory_space<vmem_shared>>) offsets(%arg8 : memref<128xi32, #tpu.memory_space<vmem>>) semaphore(%run_scoped3A : memref<!tpu.dma_semaphore, #tpu.memory_space<semaphore_mem>>) {add = true}
      %dma_wait3A_71 = arith.constant 0 : i32
      %dma_wait3A_72 = arith.constant 0 : i32
      %dma_wait3A_73 = tpu.memref_slice %arg12[%dma_wait3A_71, %dma_wait3A_72] : memref<10240x128xf32, #tpu.memory_space<vmem_shared>> -> memref<10240x128xf32, #tpu.memory_space<vmem_shared>>
      tpu.wait_indirect_dma semaphore(%run_scoped3A : memref<!tpu.dma_semaphore, #tpu.memory_space<semaphore_mem>>) src(%arg10 : memref<128x128xf32, #tpu.memory_space<vmem>>) dst(%dma_wait3A_73 : memref<10240x128xf32, #tpu.memory_space<vmem_shared>>)
      tpu.yield
    }) : () -> ()
    %barrier3A_61 = arith.constant 0 : index
    tpu.barrier barrier_id(%barrier3A_61)
    %scan3A_62 = arith.constant 0 : i32
    %scan3A_63 = arith.constant 0 : i32
    %scan3A_64 = arith.constant 8 : i32
    %scan3A_65 = arith.addi %scan3A_63, %scan3A_64 : i32
    %scan3A_66 = arith.constant 1 : i32
    scf.for %scan3A_68 = %scan3A_63 to %scan3A_65 step %scan3A_66  : i32 {
      %mul3A_69 = arith.constant 16 : i32
      %mul3A_70 = arith.muli %scan3A_68, %mul3A_69 : i32
      %add3A_71 = arith.addi %arg1, %mul3A_70 : i32
      %lt3A = arith.constant 125 : i32
      %lt3A_72 = arith.cmpi slt, %add3A_71, %lt3A : i32
      %convert_element_type3A = arith.extui %lt3A_72 : i1 to i32
      %cond3A = arith.constant 0 : i32
      %cond3A_73 = arith.cmpi ne, %convert_element_type3A, %cond3A : i32
      scf.if %cond3A_73 {
        %mul3A_74 = arith.constant 80 : i32
        %mul3A_75 = arith.muli %add3A_71, %mul3A_74 : i32
        %multiple_of3A_76 = tpu.assume_multiple %mul3A_75, 80 : i32
        %mul3A_77 = arith.constant 10000 : i32
        %mul3A_78 = arith.muli %arg0, %mul3A_77 : i32
        %multiple_of3A_79 = tpu.assume_multiple %mul3A_78, 80 : i32
        %add3A_80 = arith.addi %multiple_of3A_79, %multiple_of3A_76 : i32
        "tpu.region"() ({
          %run_scoped3A = tpu.sem_alloc : memref<!tpu.dma_semaphore, #tpu.memory_space<semaphore_mem>>
          %dma_start3A_81 = arith.constant 0 : i32
          %dma_start3A_82 = tpu.memref_slice %arg5[%add3A_80, %dma_start3A_81] : memref<20000x128xf32, #tpu.memory_space<hbm>> -> memref<80x128xf32, #tpu.memory_space<hbm>>
          %dma_start3A_83 = arith.constant 0 : i32
          %dma_start3A_84 = tpu.memref_slice %arg12[%multiple_of3A_76, %dma_start3A_83] : memref<10240x128xf32, #tpu.memory_space<vmem_shared>> -> memref<80x128xf32, #tpu.memory_space<vmem_shared>>
          tpu.enqueue_dma source(%dma_start3A_84 : memref<80x128xf32, #tpu.memory_space<vmem_shared>>) target(%dma_start3A_82 : memref<80x128xf32, #tpu.memory_space<hbm>>) target_semaphore(%run_scoped3A : memref<!tpu.dma_semaphore, #tpu.memory_space<semaphore_mem>>)
          %dma_wait3A_85 = arith.constant 0 : i32
          %dma_wait3A_86 = tpu.memref_slice %arg5[%add3A_80, %dma_wait3A_85] : memref<20000x128xf32, #tpu.memory_space<hbm>> -> memref<80x128xf32, #tpu.memory_space<hbm>>
          %dma_wait3A_87 = arith.constant 0 : i32
          %dma_wait3A_88 = tpu.memref_slice %arg12[%multiple_of3A_76, %dma_wait3A_87] : memref<10240x128xf32, #tpu.memory_space<vmem_shared>> -> memref<80x128xf32, #tpu.memory_space<vmem_shared>>
          tpu.wait_dma2 semaphore(%run_scoped3A : memref<!tpu.dma_semaphore, #tpu.memory_space<semaphore_mem>>) src(%dma_wait3A_88 : memref<80x128xf32, #tpu.memory_space<vmem_shared>>) dst(%dma_wait3A_86 : memref<80x128xf32, #tpu.memory_space<hbm>>)
          tpu.yield
        }) : () -> ()
      } else {
      }
    }
    %scan3A_67 = arith.constant 8 : i32
    return
  }
}

module attributes {stable_mosaic.version = 14 : i64} {
  func.func @_tc_a_body(%arg0: i32, %arg1: memref<1000x128xf32, #tpu.memory_space<vmem>>, %arg2: memref<128x128xf32, #tpu.memory_space<vmem>>, %arg3: memref<1000x128xf32, #tpu.memory_space<vmem>>, %arg4: memref<1000x128xf32, #tpu.memory_space<vmem>>) attributes {dimension_semantics = [#tpu.dimension_semantics<arbitrary>], iteration_bounds = array<i64: 10>, scalar_prefetch = 0 : i64, scratch_operands = 0 : i64, tpu.core_type = #tpu.core_type<tc>, window_params = [{transform_indices = @transform_0, window_bounds = array<i64: 1000, 128>}, {pipeline_mode = #tpu.pipeline_mode<synchronous>, transform_indices = @transform_1, window_bounds = array<i64: 128, 128>}, {transform_indices = @transform_2, window_bounds = array<i64: 1000, 128>}, {transform_indices = @transform_3, window_bounds = array<i64: 1000, 128>}]} {
    %get3A = arith.constant 0 : index
    %get3A_0 = arith.constant 0 : index
    %get3A_1 = vector.load %arg1[%get3A, %get3A_0] : memref<1000x128xf32, #tpu.memory_space<vmem>>, vector<1000x128xf32>
    %get3A_2 = arith.constant 0 : index
    %get3A_3 = arith.constant 0 : index
    %get3A_4 = vector.load %arg2[%get3A_2, %get3A_3] : memref<128x128xf32, #tpu.memory_space<vmem>>, vector<128x128xf32>
    %dot_general3A = arith.constant dense<0.000000e+00> : vector<1000x128xf32>
    %dot_general3A_5 = tpu.matmul %get3A_1, %get3A_4, %dot_general3A {dimension_numbers = #tpu.dot_dimension_numbers<[1], [1], [0], [0], [0, 0, 1, 0], [], []>, transpose_lhs_hint = false} : vector<1000x128xf32>, vector<128x128xf32>, vector<1000x128xf32> -> vector<1000x128xf32>
    %swap3A = arith.constant 0 : index
    %swap3A_6 = arith.constant 0 : index
    %swap3A_7 = vector.load %arg3[%swap3A, %swap3A_6] : memref<1000x128xf32, #tpu.memory_space<vmem>>, vector<1000x128xf32>
    tpu.vector_store %arg3[%swap3A, %swap3A_6], %dot_general3A_5 {strides = array<i32>} : memref<1000x128xf32, #tpu.memory_space<vmem>>, vector<1000x128xf32>,
    %max3A = arith.constant 0.000000e+00 : f32
    %max3A_8 = vector.broadcast %max3A : f32 to vector<1000x128xf32>
    %max3A_9 = arith.maximumf %dot_general3A_5, %max3A_8 : vector<1000x128xf32>
    %swap3A_10 = arith.constant 0 : index
    %swap3A_11 = arith.constant 0 : index
    %swap3A_12 = vector.load %arg4[%swap3A_10, %swap3A_11] : memref<1000x128xf32, #tpu.memory_space<vmem>>, vector<1000x128xf32>
    tpu.vector_store %arg4[%swap3A_10, %swap3A_11], %max3A_9 {strides = array<i32>} : memref<1000x128xf32, #tpu.memory_space<vmem>>, vector<1000x128xf32>,
    return
  }
  func.func @transform_0(%arg0: i32) -> (i32, i32) {
    %c0_i32 = arith.constant 0 : i32
    %c0_i32_0 = arith.constant 0 : i32
    return %arg0, %c0_i32 : i32, i32
  }
  func.func @transform_1(%arg0: i32) -> (i32, i32) {
    %c0_i32 = arith.constant 0 : i32
    %c0_i32_0 = arith.constant 0 : i32
    %c0_i32_1 = arith.constant 0 : i32
    return %c0_i32, %c0_i32_0 : i32, i32
  }
  func.func @transform_2(%arg0: i32) -> (i32, i32) {
    %c0_i32 = arith.constant 0 : i32
    %c0_i32_0 = arith.constant 0 : i32
    return %arg0, %c0_i32 : i32, i32
  }
  func.func @transform_3(%arg0: i32) -> (i32, i32) {
    %c0_i32 = arith.constant 0 : i32
    %c0_i32_0 = arith.constant 0 : i32
    return %arg0, %c0_i32 : i32, i32
  }
}

module attributes {stable_mosaic.version = 14 : i64} {
  func.func @_tc_b_body(%arg0: i32, %arg1: memref<1000x128xf32, #tpu.memory_space<vmem>>, %arg2: memref<1000x128xf32, #tpu.memory_space<vmem>>, %arg3: memref<1000x128xf32, #tpu.memory_space<vmem>>, %arg4: memref<128x128xf32, #tpu.memory_space<vmem>>, %arg5: memref<1000x128xf32, #tpu.memory_space<vmem>>) attributes {dimension_semantics = [#tpu.dimension_semantics<arbitrary>], iteration_bounds = array<i64: 10>, scalar_prefetch = 0 : i64, scratch_operands = 0 : i64, tpu.core_type = #tpu.core_type<tc>, window_params = [{transform_indices = @transform_0, window_bounds = array<i64: 1000, 128>}, {transform_indices = @transform_1, window_bounds = array<i64: 1000, 128>}, {transform_indices = @transform_2, window_bounds = array<i64: 1000, 128>}, {pipeline_mode = #tpu.pipeline_mode<synchronous>, transform_indices = @transform_3, window_bounds = array<i64: 128, 128>}, {transform_indices = @transform_4, window_bounds = array<i64: 1000, 128>}]} {
    %get3A = arith.constant 0 : index
    %get3A_0 = arith.constant 0 : index
    %get3A_1 = vector.load %arg2[%get3A, %get3A_0] : memref<1000x128xf32, #tpu.memory_space<vmem>>, vector<1000x128xf32>
    %get3A_2 = arith.constant 0 : index
    %get3A_3 = arith.constant 0 : index
    %get3A_4 = vector.load %arg3[%get3A_2, %get3A_3] : memref<1000x128xf32, #tpu.memory_space<vmem>>, vector<1000x128xf32>
    %add3A = arith.addf %get3A_1, %get3A_4 : vector<1000x128xf32>
    %get3A_5 = arith.constant 0 : index
    %get3A_6 = arith.constant 0 : index
    %get3A_7 = vector.load %arg4[%get3A_5, %get3A_6] : memref<128x128xf32, #tpu.memory_space<vmem>>, vector<128x128xf32>
    %dot_general3A = arith.constant dense<0.000000e+00> : vector<1000x128xf32>
    %dot_general3A_8 = tpu.matmul %add3A, %get3A_7, %dot_general3A {dimension_numbers = #tpu.dot_dimension_numbers<[1], [1], [0], [0], [0, 0, 1, 0], [], []>, transpose_lhs_hint = false} : vector<1000x128xf32>, vector<128x128xf32>, vector<1000x128xf32> -> vector<1000x128xf32>
    %get3A_9 = arith.constant 0 : index
    %get3A_10 = arith.constant 0 : index
    %get3A_11 = vector.load %arg1[%get3A_9, %get3A_10] : memref<1000x128xf32, #tpu.memory_space<vmem>>, vector<1000x128xf32>
    %add3A_12 = arith.addf %get3A_11, %dot_general3A_8 : vector<1000x128xf32>
    %max3A = arith.constant 0.000000e+00 : f32
    %max3A_13 = vector.broadcast %max3A : f32 to vector<1000x128xf32>
    %max3A_14 = arith.maximumf %add3A_12, %max3A_13 : vector<1000x128xf32>
    %swap3A = arith.constant 0 : index
    %swap3A_15 = arith.constant 0 : index
    %swap3A_16 = vector.load %arg5[%swap3A, %swap3A_15] : memref<1000x128xf32, #tpu.memory_space<vmem>>, vector<1000x128xf32>
    tpu.vector_store %arg5[%swap3A, %swap3A_15], %max3A_14 {strides = array<i32>} : memref<1000x128xf32, #tpu.memory_space<vmem>>, vector<1000x128xf32>,
    return
  }
  func.func @transform_0(%arg0: i32) -> (i32, i32) {
    %c0_i32 = arith.constant 0 : i32
    %c0_i32_0 = arith.constant 0 : i32
    return %arg0, %c0_i32 : i32, i32
  }
  func.func @transform_1(%arg0: i32) -> (i32, i32) {
    %c0_i32 = arith.constant 0 : i32
    %c0_i32_0 = arith.constant 0 : i32
    return %arg0, %c0_i32 : i32, i32
  }
  func.func @transform_2(%arg0: i32) -> (i32, i32) {
    %c0_i32 = arith.constant 0 : i32
    %c0_i32_0 = arith.constant 0 : i32
    return %arg0, %c0_i32 : i32, i32
  }
  func.func @transform_3(%arg0: i32) -> (i32, i32) {
    %c0_i32 = arith.constant 0 : i32
    %c0_i32_0 = arith.constant 0 : i32
    %c0_i32_1 = arith.constant 0 : i32
    return %c0_i32, %c0_i32_0 : i32, i32
  }
  func.func @transform_4(%arg0: i32) -> (i32, i32) {
    %c0_i32 = arith.constant 0 : i32
    %c0_i32_0 = arith.constant 0 : i32
    return %arg0, %c0_i32 : i32, i32
  }
}

module attributes {stable_mosaic.version = 14 : i64} {
  func.func @_tc_b_last_body(%arg0: i32, %arg1: memref<1000x128xf32, #tpu.memory_space<vmem>>, %arg2: memref<1000x128xf32, #tpu.memory_space<vmem>>, %arg3: memref<1000x128xf32, #tpu.memory_space<vmem>>, %arg4: memref<128x128xf32, #tpu.memory_space<vmem>>, %arg5: memref<1x1x1000xi32, #tpu.memory_space<vmem>>, %arg6: memref<64x128xf32, #tpu.memory_space<vmem>>) attributes {dimension_semantics = [#tpu.dimension_semantics<arbitrary>], iteration_bounds = array<i64: 10>, scalar_prefetch = 0 : i64, scratch_operands = 0 : i64, tpu.core_type = #tpu.core_type<tc>, window_params = [{transform_indices = @transform_0, window_bounds = array<i64: 1000, 128>}, {transform_indices = @transform_1, window_bounds = array<i64: 1000, 128>}, {transform_indices = @transform_2, window_bounds = array<i64: 1000, 128>}, {pipeline_mode = #tpu.pipeline_mode<synchronous>, transform_indices = @transform_3, window_bounds = array<i64: 128, 128>}, {transform_indices = @transform_4, window_bounds = array<i64: 1, 1, 1000>}, {pipeline_mode = #tpu.pipeline_mode<synchronous>, transform_indices = @transform_5, window_bounds = array<i64: 64, 128>}]} {
    %get3A = arith.constant 0 : index
    %get3A_0 = arith.constant 0 : index
    %get3A_1 = vector.load %arg2[%get3A, %get3A_0] : memref<1000x128xf32, #tpu.memory_space<vmem>>, vector<1000x128xf32>
    %get3A_2 = arith.constant 0 : index
    %get3A_3 = arith.constant 0 : index
    %get3A_4 = vector.load %arg3[%get3A_2, %get3A_3] : memref<1000x128xf32, #tpu.memory_space<vmem>>, vector<1000x128xf32>
    %add3A = arith.addf %get3A_1, %get3A_4 : vector<1000x128xf32>
    %get3A_5 = arith.constant 0 : index
    %get3A_6 = arith.constant 0 : index
    %get3A_7 = vector.load %arg4[%get3A_5, %get3A_6] : memref<128x128xf32, #tpu.memory_space<vmem>>, vector<128x128xf32>
    %dot_general3A = arith.constant dense<0.000000e+00> : vector<1000x128xf32>
    %dot_general3A_8 = tpu.matmul %add3A, %get3A_7, %dot_general3A {dimension_numbers = #tpu.dot_dimension_numbers<[1], [1], [0], [0], [0, 0, 1, 0], [], []>, transpose_lhs_hint = false} : vector<1000x128xf32>, vector<128x128xf32>, vector<1000x128xf32> -> vector<1000x128xf32>
    %get3A_9 = arith.constant 0 : index
    %get3A_10 = arith.constant 0 : index
    %get3A_11 = vector.load %arg1[%get3A_9, %get3A_10] : memref<1000x128xf32, #tpu.memory_space<vmem>>, vector<1000x128xf32>
    %add3A_12 = arith.addf %get3A_11, %dot_general3A_8 : vector<1000x128xf32>
    %max3A = arith.constant 0.000000e+00 : f32
    %max3A_13 = vector.broadcast %max3A : f32 to vector<1000x128xf32>
    %max3A_14 = arith.maximumf %add3A_12, %max3A_13 : vector<1000x128xf32>
    %get3A_15 = arith.constant 0 : index
    %get3A_16 = arith.constant 0 : index
    %get3A_17 = arith.constant 0 : index
    %get3A_18 = vector.load %arg5[%get3A_15, %get3A_16, %get3A_17] : memref<1x1x1000xi32, #tpu.memory_space<vmem>>, vector<1x1x1000xi32>
    %get3A_19 = vector.shape_cast %get3A_18 : vector<1x1x1000xi32> to vector<1000xi32>
    %iota3A = tpu.iota {dimensions = array<i32: 1>} : vector<1000x64xi32>
    %broadcast_in_dim3A = vector.shape_cast %get3A_19 : vector<1000xi32> to vector<1000x1xi32>
    %eq3A = vector.broadcast %broadcast_in_dim3A : vector<1000x1xi32> to vector<1000x64xi32>
    %eq3A_20 = arith.cmpi eq, %eq3A, %iota3A : vector<1000x64xi32>
    %jit3A = arith.constant 1.000000e+00 : f32
    %jit3A_21 = arith.constant 0.000000e+00 : f32
    %broadcast_in_dim3A_22 = vector.broadcast %jit3A : f32 to vector<1000x64xf32>
    %broadcast_in_dim3A_23 = vector.broadcast %jit3A_21 : f32 to vector<1000x64xf32>
    %select_n3A = arith.select %eq3A_20, %broadcast_in_dim3A_22, %broadcast_in_dim3A_23 : vector<1000x64xi1>, vector<1000x64xf32>
    %dot_general3A_24 = arith.constant dense<0.000000e+00> : vector<64x128xf32>
    %dot_general3A_25 = tpu.matmul %select_n3A, %max3A_14, %dot_general3A_24 {dimension_numbers = #tpu.dot_dimension_numbers<[0], [0], [1], [1], [0, 1, 1, 1], [], []>, transpose_lhs_hint = false} : vector<1000x64xf32>, vector<1000x128xf32>, vector<64x128xf32> -> vector<64x128xf32>
    %eq3A_26 = arith.constant 0 : i32
    %eq3A_27 = arith.cmpi eq, %arg0, %eq3A_26 : i32
    %convert_element_type3A = arith.extui %eq3A_27 : i1 to i32
    %cond3A = arith.constant 0 : i32
    %cond3A_28 = arith.cmpi ne, %convert_element_type3A, %cond3A : i32
    scf.if %cond3A_28 {
      %broadcast_in_dim3A_35 = arith.constant 0.000000e+00 : f32
      %broadcast_in_dim3A_36 = vector.broadcast %broadcast_in_dim3A_35 : f32 to vector<64x128xf32>
      %swap3A_37 = arith.constant 0 : index
      %swap3A_38 = arith.constant 0 : index
      %swap3A_39 = vector.load %arg6[%swap3A_37, %swap3A_38] : memref<64x128xf32, #tpu.memory_space<vmem>>, vector<64x128xf32>
      tpu.vector_store %arg6[%swap3A_37, %swap3A_38], %broadcast_in_dim3A_36 {strides = array<i32>} : memref<64x128xf32, #tpu.memory_space<vmem>>, vector<64x128xf32>,
    } else {
    }
    %get3A_29 = arith.constant 0 : index
    %get3A_30 = arith.constant 0 : index
    %get3A_31 = vector.load %arg6[%get3A_29, %get3A_30] : memref<64x128xf32, #tpu.memory_space<vmem>>, vector<64x128xf32>
    %add3A_32 = arith.addf %get3A_31, %dot_general3A_25 : vector<64x128xf32>
    %swap3A = arith.constant 0 : index
    %swap3A_33 = arith.constant 0 : index
    %swap3A_34 = vector.load %arg6[%swap3A, %swap3A_33] : memref<64x128xf32, #tpu.memory_space<vmem>>, vector<64x128xf32>
    tpu.vector_store %arg6[%swap3A, %swap3A_33], %add3A_32 {strides = array<i32>} : memref<64x128xf32, #tpu.memory_space<vmem>>, vector<64x128xf32>,
    return
  }
  func.func @transform_0(%arg0: i32) -> (i32, i32) {
    %c0_i32 = arith.constant 0 : i32
    %c0_i32_0 = arith.constant 0 : i32
    return %arg0, %c0_i32 : i32, i32
  }
  func.func @transform_1(%arg0: i32) -> (i32, i32) {
    %c0_i32 = arith.constant 0 : i32
    %c0_i32_0 = arith.constant 0 : i32
    return %arg0, %c0_i32 : i32, i32
  }
  func.func @transform_2(%arg0: i32) -> (i32, i32) {
    %c0_i32 = arith.constant 0 : i32
    %c0_i32_0 = arith.constant 0 : i32
    return %arg0, %c0_i32 : i32, i32
  }
  func.func @transform_3(%arg0: i32) -> (i32, i32) {
    %c0_i32 = arith.constant 0 : i32
    %c0_i32_0 = arith.constant 0 : i32
    %c0_i32_1 = arith.constant 0 : i32
    return %c0_i32, %c0_i32_0 : i32, i32
  }
  func.func @transform_4(%arg0: i32) -> (i32, i32, i32) {
    %c0_i32 = arith.constant 0 : i32
    %c0_i32_0 = arith.constant 0 : i32
    %c0_i32_1 = arith.constant 0 : i32
    return %arg0, %c0_i32, %c0_i32_0 : i32, i32, i32
  }
  func.func @transform_5(%arg0: i32) -> (i32, i32) {
    %c0_i32 = arith.constant 0 : i32
    %c0_i32_0 = arith.constant 0 : i32
    %c0_i32_1 = arith.constant 0 : i32
    return %c0_i32, %c0_i32_0 : i32, i32
  }
}

</mosaic_0001>

<sc_bundles>
// kernel: kernel.12.cloned.1.call-start
scs
__scs_entry_jumppad:
0x0: {  	(pc) =	sbr.rel $0x88, $3  }
0x1: {  	(tag) =	ssettag $0x0;
	lr =	simm.s32 $0x1  }
0x2: {  	[smem:$0x3F9C] =	sst lr;
	_ =	strace $0xD0000000  }
0x3: {  	_ = 	snop  }
0x4: {  	_ = 	snop  }
0x5: {  	_ = 	snop  }
0x6: {  	_ = 	snop  }
0x7: {  	_ = 	snop  }
__scs_overlays_trampoline_lowered:
0x8: {  	[smem:$0x3FAB] =	sst s0  }
0x9: {  	[smem:$0x3FAC] =	sst s1  }
0xa: {  	[smem:$0x3FAD] =	sst s2  }
0xb: {  	[smem:$0x3FAE] =	sst s3  }
0xc: {  	[smem:$0x3FAF] =	sst s4  }
0xd: {  	[smem:$0x3FB0] =	sst s5  }
0xe: {  	[smem:$0x3FB1] =	sst s6  }
0xf: {  	[smem:$0x3FB2] =	sst s7  }
0x10: {  	[smem:$0x3FB3] =	sst s8  }
0x11: {  	[smem:$0x3FB4] =	sst s9;
	s0 =	simm.s32 @!p0 $0x0  }
0x12: {  	s1 =	sld [smem:$0x3F9A];
	s0 =	simm.s32 @p0 $0x1  }
0x13: {  	[smem:$0x3FB5] =	sst s0;
	s0 =	simm.s32 @!p1 $0x0  }
0x14: {  	s2 =	sld [smem:$0x3F99];
	s0 =	simm.s32 @p1 $0x1  }
0x15: {  	[smem:$0x3FB6] =	sst s0;
	s0 =	simm.s32 @!p2 $0x0  }
0x16: {  	s3 =	sld [smem:$0x3FDB];
	s0 =	simm.s32 @p2 $0x1  }
0x17: {  	s4 =	simm.s32 $0x1BF5;
	[smem:$0x3FB8] =	sst s0  }
0x18: {  	s0 =	sld [smem:$0x3F9B];
	_ =	swait.ge [sflag:s4], $0x0  }
0x19: {  	s7 =	sld [smem:$0x3F9C]  }
0x1a: {  	s8 =	sadd.s32 $0xFFFFE003, lr  }
0x1b: {  	s9 =	sadd.s32 $0xFFFFFEF7, lr;
	s5 =	simm.s32 $0xFFFFFFFF;
	p2 =	slt.u32 s8, $0xFFFFF086  }
0x1c: {  	p1 =	slt.u32 s9, $0xF7A;
	s5 =	simm.s32 @!p2 $0x0  }
0x1d: {  	s5 =	simm.s32 @p1 $0x1;
	p0 =	seq.s32 s7, s2  }
0x1e: {  	s7 =	smul.u32 @!p0 $0xF7A, s2;
	p2 =	seq.s32 @!p0 s5, $0x0  }
0x1f: {  	s9 =	smul.u32 $0xF7A, s1;
	s8 =	simm.s32 @!p0 $0x1BF5;
	p2 =	por !p2, p0  }
0x20: {  	[sflag:s8] =	ssyncset.s32 @!p0 $0xFFFFF086;
	s6 =	sadd.s32 @!p0 s3, s7;
	s7 =	simm.s32 @!p0 $0x108  }
0x21: {  	s3 =	sadd.s32 s3, s9;
	s6 =	sadd.s32 @!p0 $0x88, s6;
	s7 =	simm.s32 @p2 $0x1082  }
0x22: {  	[simem:s7], [sflag:s8] =	dma.local @!p0 [hbm:s6], $0xF7A  }
0x23: {  	s9 =	sor.u32 $0xD0000000, s2;
	s6 =	simm.s32 $0x108;
	_ =	swait.ge @!p0 [sflag:s8], $0x0  }
0x24: {  	s3 =	sadd.s32 $0x88, s3;
	s6 =	simm.s32 @!p1 $0x1082;
	[sflag:s4] =	ssyncset.s32 $0xFFFFF086  }
0x25: {  	[simem:s6], [sflag:s4] =	dma.local [hbm:s3], $0xF7A  }
0x26: {  	[smem:$0x3F9C] =	sst s1;
	(tag) =	ssettag s2;
	_ =	strace s9  }
0x27: {  	s1 =	sld [smem:$0x3FAC]  }
0x28: {  	s2 =	sld [smem:$0x3FAD]  }
0x29: {  	s4 =	sld [smem:$0x3FAF]  }
0x2a: {  	p0 =	seq.s32 s5, $0x0;
	s5 =	sld [smem:$0x3FB0]  }
0x2b: {  	s6 =	sld [smem:$0x3FB1]  }
0x2c: {  	s7 =	sld [smem:$0x3FB2]  }
0x2d: {  	s3 =	simm.s32 $0x108;
	s8 =	sld [smem:$0x3FB3]  }
0x2e: {  	s3 =	simm.s32 @!p0 $0x1082;
	s9 =	sld [smem:$0x3FB4]  }
0x2f: {  	lr =	sadd.s32 s0, s3;
	s0 =	sld [smem:$0x3FAB]  }
0x30: {  	s3 =	sld [smem:$0x3FAE]  }
0x31: {  	[smem:$0x3FB7] =	sst s10  }
0x32: {  	s10 =	sld [smem:$0x3FB5];
	_ =	sdelay $0x3  }
0x33: {  	p0 =	seq.s32 s10, $0x1;
	s10 =	sld [smem:$0x3FB7];
	_ =	sdelay $0x3  }
0x34: {  	[smem:$0x3FB7] =	sst s10  }
0x35: {  	s10 =	sld [smem:$0x3FB6];
	_ =	sdelay $0x3  }
0x36: {  	p1 =	seq.s32 s10, $0x1;
	s10 =	sld [smem:$0x3FB7];
	_ =	sdelay $0x3  }
0x37: {  	[smem:$0x3FB7] =	sst s10  }
0x38: {  	s10 =	sld [smem:$0x3FB8]  }
0x39: {  	_ = 	snop;
	(pc) =	sbr.ind lr, $3  }
0x3a: {  	_ = 	snop  }
0x3b: {  	_ = 	snop  }
0x3c: {  	p2 =	seq.s32 s10, $0x1;
	s10 =	sld [smem:$0x3FB7]  }
0x3d: {  	_ =	shalt  }
0x3e: {  	_ =	shalt  }
0x3f: {  	_ =	shalt  }
0x40: {  	_ =	shalt  }
0x41: {  	_ =	shalt  }
0x42: {  	_ =	shalt  }
0x43: {  	_ =	shalt  }
0x44: {  	_ =	shalt  }
0x45: {  	_ =	shalt  }
0x46: {  	_ =	shalt  }
0x47: {  	_ =	shalt  }
0x48: {  	_ =	shalt  }
0x49: {  	_ =	shalt  }
0x4a: {  	_ =	shalt  }
0x4b: {  	_ =	shalt  }
0x4c: {  	_ =	shalt  }
0x4d: {  	_ =	shalt  }
0x4e: {  	_ =	shalt  }
0x4f: {  	_ =	shalt  }
0x50: {  	_ =	shalt  }
0x51: {  	_ =	shalt  }
0x52: {  	_ =	shalt  }
0x53: {  	_ =	shalt  }
0x54: {  	_ =	shalt  }
0x55: {  	_ =	shalt  }
0x56: {  	_ =	shalt  }
0x57: {  	_ =	shalt  }
0x58: {  	_ =	shalt  }
0x59: {  	_ =	shalt  }
0x5a: {  	_ =	shalt  }
0x5b: {  	_ =	shalt  }
0x5c: {  	_ =	shalt  }
0x5d: {  	_ =	shalt  }
0x5e: {  	_ =	shalt  }
0x5f: {  	_ =	shalt  }
0x60: {  	_ =	shalt  }
0x61: {  	_ =	shalt  }
0x62: {  	_ =	shalt  }
0x63: {  	_ =	shalt  }
0x64: {  	_ =	shalt  }
0x65: {  	_ =	shalt  }
0x66: {  	_ =	shalt  }
0x67: {  	_ =	shalt  }
0x68: {  	_ =	shalt  }
0x69: {  	_ =	shalt  }
0x6a: {  	_ =	shalt  }
0x6b: {  	_ =	shalt  }
0x6c: {  	_ =	shalt  }
0x6d: {  	_ =	shalt  }
0x6e: {  	_ =	shalt  }
0x6f: {  	_ =	shalt  }
0x70: {  	_ =	shalt  }
0x71: {  	_ =	shalt  }
0x72: {  	_ =	shalt  }
0x73: {  	_ =	shalt  }
0x74: {  	_ =	shalt  }
0x75: {  	_ =	shalt  }
0x76: {  	_ =	shalt  }
0x77: {  	_ =	shalt  }
0x78: {  	_ =	shalt  }
0x79: {  	_ =	shalt  }
0x7a: {  	_ =	shalt  }
0x7b: {  	_ =	shalt  }
0x7c: {  	_ =	shalt  }
0x7d: {  	_ =	shalt  }
0x7e: {  	_ =	shalt  }
0x7f: {  	_ =	shalt  }
0x80: {  	_ =	shalt  }
0x81: {  	_ =	shalt  }
0x82: {  	_ =	shalt  }
0x83: {  	_ =	shalt  }
0x84: {  	_ =	shalt  }
0x85: {  	_ =	shalt  }
0x86: {  	_ =	shalt  }
0x87: {  	_ =	shalt  }
.Lfunc_end0:
.L_simem_size_0:
called_computation.1_lowered:
.L_overlay_start_0:
0x88: {  	s2 =	sld [smem:$0x3FD9]  }
0x89: {  	s3 =	sld [smem:$0x3FFE];
	_ =	sdelay $0x1  }
0x8a: {  	s1 =	srdreg.scid  }
0x8b: {  	s0 =	sand.u32 $0x1, s1  }
0x8c: {  	s16 =	sshll.u32 s0, $0xA;
	s2 =	sadd.s32 s3, s2  }
0x8d: {  	s2 =	sadd.s32 s2, s16  }
0x8e: {  	[smem:$0x3FC3] =	sst s2  }
0x8f: {  	_ = 	snop  }
0x90: {  	(tm) =	ssettm $0x1  }
0x91: {  	s17 =	sld [smem:$0x3FFB];
	_ =	sdelay $0x3  }
0x92: {  	_ =	strace s17  }
0x93: {  	s2 =	sld [smem:$0x3FFC];
	_ =	sdelay $0x3  }
0x94: {  	_ =	strace s2  }
0x95: {  	s2 =	sld [smem:$0x3FFD];
	_ =	sdelay $0x3  }
0x96: {  	_ =	strace s2  }
0x97: {  	_ =	strace $0x8FFFFFFF  }
0x98: {  	s18 =	sld [smem:$0x3FDB];
	_ =	sdelay $0x1  }
0x99: {  	s19 =	simm.s32 $_scs_section_size  }
0x9a: {  	s4 =	simm.s32 $_size__tile_overlayer_lowered;
	s5 =	simm.s32 $_tile_overlayer_lowered  }
0x9b: {  	s22 =	simm.s32 $0x1BFF;
	s21 =	sshll.u32 s5, $0x1;
	s2 =	sadd.s32 s19, s18  }
0x9c: {  	s6 =	simm.s32 $0x0;
	s20 =	sshll.u32 s4, $0x1;
	s4 =	sadd.s32 s21, s2  }
0x9d: {  	[timem:s6], [sflag:s22] =	dma.local [hbm:s4], s20  }
0x9e: {  	_ =	swait.ge [sflag:s22], s20  }
0x9f: {  	s3 =	ssub.s32 $0x0, s20;
	[sflag:s22] =	ssyncset.done $0x0  }
0xa0: {  	[sflag:s22] =	ssyncadd.s32 s3;
	_ =	sdelay $0x1  }
0xa1: {  	s23 =	simm.s32 $0x1B8B  }
0xa2: {  	_ =	swait.ge [sflag:s23], $0x1  }
0xa3: {  	[sflag:s23] =	ssyncset.done $0x0  }
0xa4: {  	s25 =	simm.s32 $0x1B8E;
	s24 =	sld [smem:$0x3FFE];
	[sflag:s23] =	ssyncadd.s32 $0xFFFFFFFF  }
0xa5: {  	s26 =	simm.s32 $execute0_lowered;
	[smem:$0x3FD2] =	sst s25  }
0xa6: {  	s4 =	sshll.u32 s26, $0x1;
	_ =	strace $0x80000049;
	[dreg:$0x1] =	wrdreg $0xFFFFFFFF  }
0xa7: {  	s28 =	simm.s32 $_size_execute0_lowered;
	s2 =	sadd.s32 s2, s4;
	[dreg:$0x0] =	wrdreg $0x0  }
0xa8: {  	s4 =	sshll.u32 s28, $0x1;
	[dreg:$0x2] =	wrdreg s2  }
0xa9: {  	[dreg:$0x3] =	wrdreg s4  }
0xaa: {  	[dreg:$0x4] =	wrdreg $0xC0  }
0xab: {  	_ =	task [dreg:s6], $0x5FFFF  }
0xac: {  	[dreg:$0x1] =	wrdreg $0xFFFFFFFF  }
0xad: {  	[dreg:$0x0] =	wrdreg $0x60  }
0xae: {  	[dreg:$0x2] =	wrdreg s24  }
0xaf: {  	[dreg:$0x3] =	wrdreg $0xB1000  }
0xb0: {  	[dreg:$0x4] =	wrdreg $0x9  }
0xb1: {  	_ =	task.clear_ibuf [dreg:s6], $0x5FFFF;
	_ =	strace $0x90000049  }
0xb2: {  	s29 =	simm.s32 $0x9;
	_ =	strace $0x8000004B  }
0xb3: {  	_ =	swait.ge [sflag:s29], $0x1  }
0xb4: {  	[sflag:s29] =	ssyncadd.s32 $0xFFFFFFFF  }
0xb5: {  	_ =	strace $0x9000004B  }
0xb6: {  	_ =	sfence  }
0xb7: {  	s30 =	sld [smem:$0x0];
	_ =	sdelay $0x2  }
0xb8: {  	s31 =	sshll.u32 s1, $0xD;
	s1 =	sshrl.u32 s1, $0x2  }
0xb9: {  	s3 =	sand.u32 $0x4000, s31;
	s1 =	sadd.s32 s1, s30  }
0xba: {  	s0 =	sor.u32 s3, s0;
	s1 =	sshll.u32 s1, $0x11  }
0xbb: {  	s0 =	sor.u32 s1, s0  }
0xbc: {  	s0 =	sadd.s32 $0x8F2B, s0  }
0xbd: {  	[sflag:s0] =	ssyncadd.remote.s32 $0x1  }
0xbe: {  	_ =	sfence.sel $0xFFFF  }
0xbf: {  	[dreg:$0x0] =	wrdreg $0xFFFFFFFF;
	(pc) =	sbr.abs _section_cstart, $3  }
0xc0: {  	[dreg:$0x1] =	wrdreg $0xFFFFFFFF  }
0xc1: {  	_ =	task.clear_ibuf [dreg:s6], $0x2FFFF;
	_ =	strace $0x9FFFFFFF  }
0xc2: {  	(tm) =	ssettm $0x7FFFFFFF  }
0xc3: {  	_ =	shalt  }
tec
execute0_lowered:
.L_overlay_start_1:
0x0: {  	(tag) =	ssettag $0x1  }
0x1: {  	s18 =	stileid.u32  }
0x2: {  	s1 =	srdreg.scid;
	s8 =	smul.u32 $0x500, s18  }
0x3: {  	s0 =	rddreg [dreg:$0x0];
	s1 =	sand.u32 $0x1, s1;
	s26 =	smul.u32 $0x5000, s18  }
0x4: {  	s2 =	rddreg [dreg:$0x1];
	s9 =	sor.u32 $0x10, s18;
	s6 =	smul.u32 $0x27100, s1  }
0x5: {  	s3 =	simm.s32 $0x0;
	s12 =	sor.u32 $0x20, s18;
	s11 =	smul.u32 $0x500, s9  }
0x6: {  	s29 =	simm.s32 $0x5;
	s13 =	sor.u32 $0x30, s18;
	s24 =	smul.u32 $0x500, s12  }
0x7: {  	s30 =	simm.s32 $0x2800;
	s19 =	sor.u32 $0x40, s18;
	s15 =	smul.u32 $0x500, s13  }
0x8: {  	s31 =	simm.s32 $0x80;
	s20 =	sor.u32 $0x50, s18;
	s17 =	smul.u32 $0x500, s19  }
0x9: {  	s4 =	sshll.u32 s18, $0x1;
	[smem:$0x7FF] =	sst s3;
	s25 =	smul.u32 $0x500, s20  }
0xa: {  	s4 =	sor.u32 s1, s4;
	s14 =	ssub.s32 $0x2, s1;
	s1 =	smul.u32 $0x2800, s1  }
0xb: {  	s10 =	sadd.s32 $0x32E00, s0;
	s21 =	sor.u32 $0x70, s18;
	s5 =	smul.u32 $0x2800, s4  }
0xc: {  	_ =	strace $0x8000004A;
	s22 =	smul.u32 $0x500, s21;
	p0 =	sgt.u32 s21, $0x7C  }
0xd: {  	s4 =	sadd.s32 $0x1C00, s0;
	s16 =	sshrl.u32 s14, $0x1;
	s5 =	sshrl.u32 s5, $0x3  }
0xe: {  	s14 =	ssub.s32 s14, s16;
	s7 =	sadd.s32 s5, s0;
	s0 =	sadd.s32 s6, s0  }
0xf: {  	s1 =	sadd.s32 s1, s26;
	s7 =	sadd.s32 $0x28E00, s7;
	s0 =	sadd.s32 $0x3CE00, s0  }
0x10: {  	s28 =	sadd.s32 s10, s5;
	[dreg:$0x3] =	wrdreg s7;
	s8 =	sadd.s32 s0, s8  }
0x11: {  	s5 =	sor.u32 $0x180, s1;
	s11 =	sadd.s32 s0, s11;
	[dreg:$0x4] =	wrdreg s8  }
0x12: {  	s1 =	sor.u32 $0x100, s1;
	s6 =	sadd.s32 s0, s24;
	[dreg:$0x5] =	wrdreg s11  }
0x13: {  	s23 =	sadd.s32 s0, s15;
	s7 =	smul.u32 $0xA000, s12;
	[dreg:$0x6] =	wrdreg s6  }
0x14: {  	s24 =	sadd.s32 s0, s17;
	s12 =	smul.u32 $0xA000, s18;
	[dreg:$0x7] =	wrdreg s23  }
0x15: {  	s25 =	sadd.s32 s0, s25;
	[dreg:$0x8] =	wrdreg s24;
	s6 =	smul.u32 $0xA000, s9  }
0x16: {  	s8 =	sor.u32 $0x60, s18;
	[dreg:$0x9] =	wrdreg s25;
	s23 =	smul.u32 $0xA000, s19  }
0x17: {  	s9 =	sshrl.u32 s1, $0x3;
	s11 =	sshll.u32 s18, $0xB;
	s24 =	smul.u32 $0xA000, s20  }
0x18: {  	s18 =	smax.u32 s14, $0x1;
	s25 =	smul.u32 $0xA000, s21;
	s20 =	smov.u32 s28  }
0x19: {  	s28 =	sadd.s32 $0x10, s28;
	s16 =	smul.u32 $0x500, s8;
	s17 =	sadd.s32 s11, s2  }
0x1a: {  	[dreg:$0xc] =	wrdreg s18;
	s1 =	sshrl.u32 s12, $0x2;
	s8 =	smul.u32 $0xA000, s8  }
0x1b: {  	s11 =	simm.s32 $0x0;
	s1 =	sadd.s32 s1, s2;
	s26 =	sadd.s32 s0, s16  }
0x1c: {  	s0 =	sadd.s32 s0, s22;
	s16 =	sadd.s32 s9, s10;
	s22 =	smul.u32 $0xA000, s13  }
0x1d: {  	s9 =	sshrl.u32 s24, $0x2;
	s8 =	sshrl.u32 s8, $0x2;
	[dreg:$0xa] =	wrdreg s26  }
0x1e: {  	s1 =	sshrl.u32 s1, $0x3;
	[dreg:$0xb] =	wrdreg s0;
	s0 =	sshrl.u32 s5, $0x3  }
0x1f: {  	s5 =	sshrl.u32 s6, $0x2;
	s6 =	sshrl.u32 s7, $0x2;
	s7 =	sshrl.u32 s23, $0x2  }
0x20: {  	s9 =	sadd.s32 s9, s2;
	s8 =	sadd.s32 s8, s2;
	[dreg:$0xd] =	wrdreg s1  }
0x21: {  	s1 =	simm.s32 $0x2900;
	s15 =	sadd.s32 s0, s10;
	s5 =	sadd.s32 s5, s2  }
0x22: {  	s0 =	sshrl.u32 s22, $0x2;
	s6 =	sadd.s32 s6, s2;
	s7 =	sadd.s32 s7, s2  }
0x23: {  	s10 =	sshrl.u32 s25, $0x2;
	s24 =	sshrl.u32 s9, $0x3;
	s25 =	sshrl.u32 s8, $0x3  }
0x24: {  	s8 =	simm.s32 $0x1;
	s9 =	simm.s32 $0x3;
	s0 =	sadd.s32 s0, s2  }
0x25: {  	s10 =	sadd.s32 s10, s2;
	s26 =	sshrl.u32 s5, $0x3;
	s21 =	sshrl.u32 s6, $0x3  }
0x26: {  	s23 =	sshrl.u32 s7, $0x3;
	s5 =	simm.s32 $0x6900;
	s7 =	simm.s32 $0xA900  }
0x27: {  	s6 =	simm.s32 $0x2;
	[dreg:$0xe] =	wrdreg s26;
	s22 =	sshrl.u32 s0, $0x3  }
0x28: {  	v0 =	vimm.f32 $0.0e+00;
	s26 =	sshrl.u32 @!p0 s10, $0x3;
	s0 =	simm.s32 $0x2880;
	s10 =	simm.s32 $0x4  }
.LBB2_1:
0x29: {  	s12 =	rddreg [dreg:$0x3]  }
0x2a: {  	[tilespmem:s3], [sflag:$0x5] =	stream.linear.gather [hbm4b:s12+s3], $0x2800, $0x38;
	[tilespmem:$0x1F100] =	vst v63  }
0x2b: {  	_ =	swait.ge [sflag:s29], $0x2800  }
0x2c: {  	[sflag:s29] =	ssyncset.done $0x0  }
0x2d: {  	[sflag:s29] =	ssyncadd.s32 $0xFFFFD800  }
0x2e: {  	[tilespmem:s30], [sflag:$0x1] =	stream.linear.gather [hbm4b:s20+s3], $0x80, $0x38;
	[tilespmem:$0x1F100] =	vst v63  }
0x2f: {  	_ = 	snop  }
0x30: {  	[tilespmem:s1], [sflag:$0x3] =	stream.indirect.gather [hbm4b:s4+s31], $0x80, s3, s31, $0xb8;
	[tilespmem:$0x1F100] =	vst v63  }
0x31: {  	_ = 	snop  }
0x32: {  	[tilespmem:s0], [sflag:$0x2] =	stream.linear.gather [hbm4b:s28+s3], $0x80, $0x38;
	[tilespmem:$0x1F100] =	vst v63  }
0x33: {  	s13 =	simm.s32 $0x200;
	s12 =	simm.s32 $0x0  }
0x34: {  	[tilespmem:s5], [sflag:$0x4] =	stream.indirect.gather [hbm4b:s4+s31], $0x80, s31, s31, $0xb8;
	[tilespmem:$0x1F100] =	vst v63  }
.LBB2_2:
0x35: {  	p1 =	sne.s32 s13, $0x1E00;
	[tilespmem:s12+$0xA970] =	vst v0  }
0x36: {  	[tilespmem:s12+$0xA900] =	vst v0  }
0x37: {  	[tilespmem:s12+$0xA910] =	vst v0  }
.Ltmp0:
0x38: {  	[tilespmem:s12+$0xA920] =	vst v0;
	(pc) =	sbr.rel @p1 .LBB2_2-.Ltmp0, $4  }
0x39: {  	[tilespmem:s12+$0xA930] =	vst v0  }
0x3a: {  	[tilespmem:s12+$0xA940] =	vst v0  }
0x3b: {  	[tilespmem:s12+$0xA950] =	vst v0  }
0x3c: {  	[tilespmem:s12+$0xA960] =	vst v0;
	s12 =	sshra.s32 s13, $0x2;
	s13 =	sadd.s32 $0x200, s13  }
0x3d: {  	[tilespmem:s12+$0xA970] =	vst v0  }
0x3e: {  	[tilespmem:s12+$0xA900] =	vst v0  }
0x3f: {  	[tilespmem:s12+$0xA910] =	vst v0  }
0x40: {  	[tilespmem:s12+$0xA920] =	vst v0  }
0x41: {  	[tilespmem:s12+$0xA930] =	vst v0  }
0x42: {  	[tilespmem:s12+$0xA940] =	vst v0  }
0x43: {  	[tilespmem:s12+$0xA950] =	vst v0  }
0x44: {  	[tilespmem:s12+$0xA960] =	vst v0;
	s19 =	sadd.s32 $0x0, s17  }
0x45: {  	[spmem:s19] =	stream.linear.scatter [tilespmem:s7], [sflag:$0x5], $0x800, $0x38;
	[tilespmem:$0x1F100] =	vst v63  }
0x46: {  	s12 =	simm.s32 $0x20000;
	_ =	swait.ge [sflag:s29], $0x800  }
.LBB2_4:
0x47: {  	s13 =	sshra.s32 s12, $0x2;
	[sflag:s29] =	ssyncset.done $0x0;
	p1 =	sne.s32 s12, $0x4E0000  }
.Ltmp1:
0x48: {  	s13 =	sadd.s32 s13, s17;
	[sflag:s29] =	ssyncadd.s32 $0xFFFFF800;
	(pc) =	sbr.rel @p1 .LBB2_4-.Ltmp1, $3  }
0x49: {  	[spmem:s13] =	stream.linear.scatter [tilespmem:s7], [sflag:$0x5], $0x800, $0x38;
	[tilespmem:$0x1F100] =	vst v63  }
0x4a: {  	s12 =	sadd.s32 $0x20000, s12;
	_ =	sdelay $0x1  }
0x4b: {  	_ =	swait.ge [sflag:s29], $0x800  }
0x4c: {  	[sflag:s29] =	ssyncset.done $0x0  }
0x4d: {  	[sflag:s29] =	ssyncadd.s32 $0xFFFFF800  }
0x4e: {  	[bflag:$0x0] =	sbarrier.arrive $0xFFFF  }
0x4f: {  	_ =	swait.ge [sflag:s8], $0x80  }
0x50: {  	[sflag:s8] =	ssyncset.done $0x0  }
0x51: {  	[sflag:s8] =	ssyncadd.s32 $0xFFFFFF80  }
0x52: {  	_ =	swait.ge [sflag:s9], $0x4000  }
0x53: {  	[sflag:s9] =	ssyncset.done $0x0  }
0x54: {  	[sflag:s9] =	ssyncadd.s32 $0xFFFFC000  }
0x55: {  	[spmem:s2] =	stream.indirect.scatter.add.f32 [tilespmem:s1], [sflag:$0x5], $0x80, s30, s31, $0xb8;
	[tilespmem:$0x1F100] =	vst v63  }
0x56: {  	_ =	swait.ge [sflag:s29], $0x4000  }
0x57: {  	[sflag:s29] =	ssyncset.done $0x0  }
0x58: {  	s12 =	sadd.s32 $0x0, s16;
	[sflag:s29] =	ssyncadd.s32 $0xFFFFC000  }
0x59: {  	[tilespmem:s30], [sflag:$0x1] =	stream.linear.gather [hbm4b:s12+s3], $0x80, $0x38;
	[tilespmem:$0x1F100] =	vst v63  }
0x5a: {  	s18 =	simm.s32 $0x100  }
0x5b: {  	[tilespmem:s1], [sflag:$0x3] =	stream.indirect.gather [hbm4b:s4+s31], $0x80, s18, s31, $0xb8;
	[tilespmem:$0x1F100] =	vst v63  }
0x5c: {  	_ =	swait.ge [sflag:s6], $0x80  }
0x5d: {  	[sflag:s6] =	ssyncset.done $0x0  }
0x5e: {  	[sflag:s6] =	ssyncadd.s32 $0xFFFFFF80  }
0x5f: {  	_ =	swait.ge [sflag:s10], $0x4000  }
0x60: {  	[sflag:s10] =	ssyncset.done $0x0  }
0x61: {  	[sflag:s10] =	ssyncadd.s32 $0xFFFFC000  }
0x62: {  	[spmem:s2] =	stream.indirect.scatter.add.f32 [tilespmem:s5], [sflag:$0x5], $0x80, s0, s31, $0xb8;
	[tilespmem:$0x1F100] =	vst v63  }
0x63: {  	_ =	swait.ge [sflag:s29], $0x4000  }
0x64: {  	s19 =	sadd.s32 $0x0, s15;
	s13 =	simm.s32 $0x20;
	[sflag:s29] =	ssyncset.done $0x0  }
0x65: {  	s14 =	simm.s32 $0x280;
	s12 =	simm.s32 $0x180;
	[sflag:s29] =	ssyncadd.s32 $0xFFFFC000  }
0x66: {  	[tilespmem:s0], [sflag:$0x2] =	stream.linear.gather [hbm4b:s19+s3], $0x80, $0x38;
	[tilespmem:$0x1F100] =	vst v63  }
.LBB2_6:
0x67: {  	[tilespmem:s5], [sflag:$0x4] =	stream.indirect.gather [hbm4b:s4+s31], $0x80, s12, s31, $0xb8;
	[tilespmem:$0x1F100] =	vst v63  }
0x68: {  	s18 =	smov.u32 s13;
	s12 =	smov.u32 s14  }
0x69: {  	p1 =	sne.s32 s13, $0x4C0;
	s13 =	sadd.s32 $0x20, s13;
	_ =	swait.ge [sflag:s8], $0x80  }
0x6a: {  	[sflag:s8] =	ssyncset.done $0x0  }
0x6b: {  	[sflag:s8] =	ssyncadd.s32 $0xFFFFFF80  }
0x6c: {  	_ =	swait.ge [sflag:s9], $0x4000  }
0x6d: {  	[sflag:s9] =	ssyncset.done $0x0  }
0x6e: {  	[sflag:s9] =	ssyncadd.s32 $0xFFFFC000  }
0x6f: {  	[spmem:s2] =	stream.indirect.scatter.add.f32 [tilespmem:s1], [sflag:$0x5], $0x80, s30, s31, $0xb8;
	[tilespmem:$0x1F100] =	vst v63  }
0x70: {  	_ =	swait.ge [sflag:s29], $0x4000  }
0x71: {  	[sflag:s29] =	ssyncset.done $0x0  }
0x72: {  	s19 =	sadd.s32 s18, s16;
	[sflag:s29] =	ssyncadd.s32 $0xFFFFC000  }
0x73: {  	[tilespmem:s30], [sflag:$0x1] =	stream.linear.gather [hbm4b:s19+s3], $0x80, $0x38;
	[tilespmem:$0x1F100] =	vst v63  }
0x74: {  	s19 =	sadd.s32 $0xFFFFFF80, s14  }
0x75: {  	[tilespmem:s1], [sflag:$0x3] =	stream.indirect.gather [hbm4b:s4+s31], $0x80, s19, s31, $0xb8;
	[tilespmem:$0x1F100] =	vst v63  }
0x76: {  	_ =	swait.ge [sflag:s6], $0x80  }
0x77: {  	[sflag:s6] =	ssyncset.done $0x0  }
0x78: {  	[sflag:s6] =	ssyncadd.s32 $0xFFFFFF80  }
0x79: {  	_ =	swait.ge [sflag:s10], $0x4000  }
0x7a: {  	[sflag:s10] =	ssyncset.done $0x0  }
0x7b: {  	[sflag:s10] =	ssyncadd.s32 $0xFFFFC000  }
0x7c: {  	[spmem:s2] =	stream.indirect.scatter.add.f32 [tilespmem:s5], [sflag:$0x5], $0x80, s0, s31, $0xb8;
	[tilespmem:$0x1F100] =	vst v63  }
.Ltmp2:
0x7d: {  	_ =	swait.ge [sflag:s29], $0x4000;
	(pc) =	sbr.rel @p1 .LBB2_6-.Ltmp2, $4  }
0x7e: {  	[sflag:s29] =	ssyncset.done $0x0  }
0x7f: {  	s18 =	sadd.s32 s18, s15;
	[sflag:s29] =	ssyncadd.s32 $0xFFFFC000  }
0x80: {  	[tilespmem:s0], [sflag:$0x2] =	stream.linear.gather [hbm4b:s18+s3], $0x80, $0x38;
	[tilespmem:$0x1F100] =	vst v63  }
0x81: {  	s14 =	sadd.s32 $0x100, s14  }
0x82: {  	[tilespmem:s5], [sflag:$0x4] =	stream.indirect.gather [hbm4b:s4+s31], $0x80, s12, s31, $0xb8;
	[tilespmem:$0x1F100] =	vst v63  }
0x83: {  	_ =	swait.ge [sflag:s8], $0x80  }
0x84: {  	[sflag:s8] =	ssyncset.done $0x0  }
0x85: {  	[sflag:s8] =	ssyncadd.s32 $0xFFFFFF80  }
0x86: {  	_ =	swait.ge [sflag:s9], $0x4000  }
0x87: {  	[sflag:s9] =	ssyncset.done $0x0  }
0x88: {  	[sflag:s9] =	ssyncadd.s32 $0xFFFFC000  }
0x89: {  	[spmem:s2] =	stream.indirect.scatter.add.f32 [tilespmem:s1], [sflag:$0x5], $0x80, s30, s31, $0xb8;
	[tilespmem:$0x1F100] =	vst v63  }
0x8a: {  	_ =	swait.ge [sflag:s29], $0x4000  }
0x8b: {  	[sflag:s29] =	ssyncset.done $0x0  }
0x8c: {  	[sflag:s29] =	ssyncadd.s32 $0xFFFFC000  }
0x8d: {  	_ =	swait.ge [sflag:s6], $0x80  }
0x8e: {  	[sflag:s6] =	ssyncset.done $0x0  }
0x8f: {  	[sflag:s6] =	ssyncadd.s32 $0xFFFFFF80  }
0x90: {  	_ =	swait.ge [sflag:s10], $0x4000  }
0x91: {  	[sflag:s10] =	ssyncset.done $0x0  }
0x92: {  	[sflag:s10] =	ssyncadd.s32 $0xFFFFC000  }
0x93: {  	[spmem:s2] =	stream.indirect.scatter.add.f32 [tilespmem:s5], [sflag:$0x5], $0x80, s0, s31, $0xb8;
	[tilespmem:$0x1F100] =	vst v63  }
0x94: {  	_ =	swait.ge [sflag:s29], $0x4000  }
0x95: {  	[sflag:s29] =	ssyncset.done $0x0  }
0x96: {  	[sflag:s29] =	ssyncadd.s32 $0xFFFFC000  }
0x97: {  	s14 =	stileid.u32;
	[bflag:$0x0] =	sbarrier.arrive $0xFFFF  }
0x98: {  	s12 =	sshll.u32 s14, $0x6;
	s13 =	rddreg [dreg:$0x4]  }
0x99: {  	s12 =	sor.u32 $0x1C05, s12;
	s14 =	rddreg [dreg:$0xd]  }
0x9a: {  	[hbm:s13], [sflag:s12] =	dma.local [spmem:s14], $0x500  }
0x9b: {  	_ =	swait.ge [sflag:s29], $0x500  }
0x9c: {  	[sflag:s29] =	ssyncset.done $0x0;
	s18 =	rddreg [dreg:$0x5]  }
0x9d: {  	s19 =	rddreg [dreg:$0xe];
	[sflag:s29] =	ssyncadd.s32 $0xFFFFFB00  }
0x9e: {  	[hbm:s18], [sflag:s12] =	dma.local [spmem:s19], $0x500  }
0x9f: {  	_ =	swait.ge [sflag:s29], $0x500  }
0xa0: {  	[sflag:s29] =	ssyncset.done $0x0  }
0xa1: {  	s14 =	rddreg [dreg:$0x6];
	[sflag:s29] =	ssyncadd.s32 $0xFFFFFB00  }
0xa2: {  	[hbm:s14], [sflag:s12] =	dma.local [spmem:s21], $0x500  }
0xa3: {  	_ =	swait.ge [sflag:s29], $0x500  }
0xa4: {  	[sflag:s29] =	ssyncset.done $0x0  }
0xa5: {  	s18 =	rddreg [dreg:$0x7];
	[sflag:s29] =	ssyncadd.s32 $0xFFFFFB00  }
0xa6: {  	[hbm:s18], [sflag:s12] =	dma.local [spmem:s22], $0x500  }
0xa7: {  	_ =	swait.ge [sflag:s29], $0x500  }
0xa8: {  	[sflag:s29] =	ssyncset.done $0x0  }
0xa9: {  	s19 =	rddreg [dreg:$0x8];
	[sflag:s29] =	ssyncadd.s32 $0xFFFFFB00  }
0xaa: {  	[hbm:s19], [sflag:s12] =	dma.local [spmem:s23], $0x500  }
0xab: {  	_ =	swait.ge [sflag:s29], $0x500  }
0xac: {  	[sflag:s29] =	ssyncset.done $0x0  }
0xad: {  	s14 =	rddreg [dreg:$0x9];
	[sflag:s29] =	ssyncadd.s32 $0xFFFFFB00  }
0xae: {  	[hbm:s14], [sflag:s12] =	dma.local [spmem:s24], $0x500  }
0xaf: {  	_ =	swait.ge [sflag:s29], $0x500  }
0xb0: {  	[sflag:s29] =	ssyncset.done $0x0  }
0xb1: {  	s18 =	rddreg [dreg:$0xa];
	[sflag:s29] =	ssyncadd.s32 $0xFFFFFB00  }
0xb2: {  	[hbm:s18], [sflag:s12] =	dma.local [spmem:s25], $0x500  }
0xb3: {  	_ =	swait.ge [sflag:s29], $0x500  }
0xb4: {  	[sflag:s29] =	ssyncset.done $0x0  }
0xb5: {  	s13 =	rddreg [dreg:$0xb];
	[sflag:s29] =	ssyncadd.s32 $0xFFFFFB00  }
0xb6: {  	[hbm:s13], [sflag:s12] =	dma.local @!p0 [spmem:s26], $0x500  }
0xb7: {  	s12 =	simm.s32 @!p0 $0x5  }
0xb8: {  	_ =	swait.ge @!p0 [sflag:s12], $0x500  }
0xb9: {  	s11 =	sadd.s32 $0x1, s11;
	s19 =	rddreg [dreg:$0xc]  }
0xba: {  	p1 =	sne.s32 s11, s19  }
.Ltmp3:
0xbb: {  	_ = 	snop;
	(pc) =	sbr.rel @p1 .LBB2_1-.Ltmp3, $3  }
0xbc: {  	_ =	sdelay $0x1  }
0xbd: {  	[sflag:s12] =	ssyncset.done @!p0 $0x0  }
0xbe: {  	[sflag:s12] =	ssyncadd.s32 @!p0 $0xFFFFFB00  }
0xbf: {  	_ =	sfence.sel $0x180000  }
0xc0: {  	[bflag:$0x0] =	sbarrier.arrive $0xFFFF  }
0xc1: {  	_ =	strace $0x9000004A  }
0xc2: {  	s0 =	stileid.u32;
	[bflag:$0x2] =	sbarrier.arrive $0xFFFF  }
0xc3: {  	p0 =	sne.s32 s0, $0x0;
	s0 =	rddreg [dreg:$0x2]  }
0xc4: {  	s0 =	sadd.s32 @!p0 $0x100000, s0  }
0xc5: {  	[sflag:s0] =	ssyncadd.tile.s32 @!p0 $0x1;
	_ =	shalt  }
.Lfunc_end2:
_tile_overlayer_lowered:
.L_overlay_start_2:
0xc6: {  	(tag) =	ssettag $0x2  }
0xc7: {  	s0 =	rddreg [dreg:$0x0];
	s2 =	stileid.u32  }
0xc8: {  	s1 =	rddreg [dreg:$0x1];
	p0 =	sne.s32 s2, $0x0  }
0xc9: {  	s3 =	rddreg [dreg:$0x2];
	[bflag:$0x3] =	sbarrier.arrive $0xFFFF;
	s2 =	simm.s32 @!p0 $0x1C05  }
0xca: {  	[timem:s3], [sflag:s2] =	dma.local @!p0 [hbm:s0], s1  }
0xcb: {  	s0 =	simm.s32 @!p0 $0x5  }
0xcc: {  	_ =	swait.ge @!p0 [sflag:s0], s1  }
0xcd: {  	s1 =	ssub.s32 @!p0 $0x0, s1;
	[sflag:s0] =	ssyncset.done @!p0 $0x0  }
0xce: {  	[sflag:s0] =	ssyncadd.s32 @!p0 s1  }
0xcf: {  	[bflag:$0x3] =	sbarrier.arrive $0xFFFF  }
0xd0: {  	_ =	shalt  }

// kernel: kernel.15.cloned.1.call-start
scs
__scs_entry_jumppad:
0x0: {  	(pc) =	sbr.rel $0x88, $3  }
0x1: {  	(tag) =	ssettag $0x0;
	lr =	simm.s32 $0x1  }
0x2: {  	[smem:$0x3F9C] =	sst lr;
	_ =	strace $0xD0000000  }
0x3: {  	_ = 	snop  }
0x4: {  	_ = 	snop  }
0x5: {  	_ = 	snop  }
0x6: {  	_ = 	snop  }
0x7: {  	_ = 	snop  }
__scs_overlays_trampoline_lowered:
0x8: {  	[smem:$0x3FAB] =	sst s0  }
0x9: {  	[smem:$0x3FAC] =	sst s1  }
0xa: {  	[smem:$0x3FAD] =	sst s2  }
0xb: {  	[smem:$0x3FAE] =	sst s3  }
0xc: {  	[smem:$0x3FAF] =	sst s4  }
0xd: {  	[smem:$0x3FB0] =	sst s5  }
0xe: {  	[smem:$0x3FB1] =	sst s6  }
0xf: {  	[smem:$0x3FB2] =	sst s7  }
0x10: {  	[smem:$0x3FB3] =	sst s8  }
0x11: {  	[smem:$0x3FB4] =	sst s9;
	s0 =	simm.s32 @!p0 $0x0  }
0x12: {  	s1 =	sld [smem:$0x3F9A];
	s0 =	simm.s32 @p0 $0x1  }
0x13: {  	[smem:$0x3FB5] =	sst s0;
	s0 =	simm.s32 @!p1 $0x0  }
0x14: {  	s2 =	sld [smem:$0x3F99];
	s0 =	simm.s32 @p1 $0x1  }
0x15: {  	[smem:$0x3FB6] =	sst s0;
	s0 =	simm.s32 @!p2 $0x0  }
0x16: {  	s3 =	sld [smem:$0x3FDB];
	s0 =	simm.s32 @p2 $0x1  }
0x17: {  	s4 =	simm.s32 $0x1BF5;
	[smem:$0x3FB8] =	sst s0  }
0x18: {  	s0 =	sld [smem:$0x3F9B];
	_ =	swait.ge [sflag:s4], $0x0  }
0x19: {  	s7 =	sld [smem:$0x3F9C]  }
0x1a: {  	s8 =	sadd.s32 $0xFFFFE003, lr  }
0x1b: {  	s9 =	sadd.s32 $0xFFFFFEF7, lr;
	s5 =	simm.s32 $0xFFFFFFFF;
	p2 =	slt.u32 s8, $0xFFFFF086  }
0x1c: {  	p1 =	slt.u32 s9, $0xF7A;
	s5 =	simm.s32 @!p2 $0x0  }
0x1d: {  	s5 =	simm.s32 @p1 $0x1;
	p0 =	seq.s32 s7, s2  }
0x1e: {  	s7 =	smul.u32 @!p0 $0xF7A, s2;
	p2 =	seq.s32 @!p0 s5, $0x0  }
0x1f: {  	s9 =	smul.u32 $0xF7A, s1;
	s8 =	simm.s32 @!p0 $0x1BF5;
	p2 =	por !p2, p0  }
0x20: {  	[sflag:s8] =	ssyncset.s32 @!p0 $0xFFFFF086;
	s6 =	sadd.s32 @!p0 s3, s7;
	s7 =	simm.s32 @!p0 $0x108  }
0x21: {  	s3 =	sadd.s32 s3, s9;
	s6 =	sadd.s32 @!p0 $0x88, s6;
	s7 =	simm.s32 @p2 $0x1082  }
0x22: {  	[simem:s7], [sflag:s8] =	dma.local @!p0 [hbm:s6], $0xF7A  }
0x23: {  	s9 =	sor.u32 $0xD0000000, s2;
	s6 =	simm.s32 $0x108;
	_ =	swait.ge @!p0 [sflag:s8], $0x0  }
0x24: {  	s3 =	sadd.s32 $0x88, s3;
	s6 =	simm.s32 @!p1 $0x1082;
	[sflag:s4] =	ssyncset.s32 $0xFFFFF086  }
0x25: {  	[simem:s6], [sflag:s4] =	dma.local [hbm:s3], $0xF7A  }
0x26: {  	[smem:$0x3F9C] =	sst s1;
	(tag) =	ssettag s2;
	_ =	strace s9  }
0x27: {  	s1 =	sld [smem:$0x3FAC]  }
0x28: {  	s2 =	sld [smem:$0x3FAD]  }
0x29: {  	s4 =	sld [smem:$0x3FAF]  }
0x2a: {  	p0 =	seq.s32 s5, $0x0;
	s5 =	sld [smem:$0x3FB0]  }
0x2b: {  	s6 =	sld [smem:$0x3FB1]  }
0x2c: {  	s7 =	sld [smem:$0x3FB2]  }
0x2d: {  	s3 =	simm.s32 $0x108;
	s8 =	sld [smem:$0x3FB3]  }
0x2e: {  	s3 =	simm.s32 @!p0 $0x1082;
	s9 =	sld [smem:$0x3FB4]  }
0x2f: {  	lr =	sadd.s32 s0, s3;
	s0 =	sld [smem:$0x3FAB]  }
0x30: {  	s3 =	sld [smem:$0x3FAE]  }
0x31: {  	[smem:$0x3FB7] =	sst s10  }
0x32: {  	s10 =	sld [smem:$0x3FB5];
	_ =	sdelay $0x3  }
0x33: {  	p0 =	seq.s32 s10, $0x1;
	s10 =	sld [smem:$0x3FB7];
	_ =	sdelay $0x3  }
0x34: {  	[smem:$0x3FB7] =	sst s10  }
0x35: {  	s10 =	sld [smem:$0x3FB6];
	_ =	sdelay $0x3  }
0x36: {  	p1 =	seq.s32 s10, $0x1;
	s10 =	sld [smem:$0x3FB7];
	_ =	sdelay $0x3  }
0x37: {  	[smem:$0x3FB7] =	sst s10  }
0x38: {  	s10 =	sld [smem:$0x3FB8]  }
0x39: {  	_ = 	snop;
	(pc) =	sbr.ind lr, $3  }
0x3a: {  	_ = 	snop  }
0x3b: {  	_ = 	snop  }
0x3c: {  	p2 =	seq.s32 s10, $0x1;
	s10 =	sld [smem:$0x3FB7]  }
0x3d: {  	_ =	shalt  }
0x3e: {  	_ =	shalt  }
0x3f: {  	_ =	shalt  }
0x40: {  	_ =	shalt  }
0x41: {  	_ =	shalt  }
0x42: {  	_ =	shalt  }
0x43: {  	_ =	shalt  }
0x44: {  	_ =	shalt  }
0x45: {  	_ =	shalt  }
0x46: {  	_ =	shalt  }
0x47: {  	_ =	shalt  }
0x48: {  	_ =	shalt  }
0x49: {  	_ =	shalt  }
0x4a: {  	_ =	shalt  }
0x4b: {  	_ =	shalt  }
0x4c: {  	_ =	shalt  }
0x4d: {  	_ =	shalt  }
0x4e: {  	_ =	shalt  }
0x4f: {  	_ =	shalt  }
0x50: {  	_ =	shalt  }
0x51: {  	_ =	shalt  }
0x52: {  	_ =	shalt  }
0x53: {  	_ =	shalt  }
0x54: {  	_ =	shalt  }
0x55: {  	_ =	shalt  }
0x56: {  	_ =	shalt  }
0x57: {  	_ =	shalt  }
0x58: {  	_ =	shalt  }
0x59: {  	_ =	shalt  }
0x5a: {  	_ =	shalt  }
0x5b: {  	_ =	shalt  }
0x5c: {  	_ =	shalt  }
0x5d: {  	_ =	shalt  }
0x5e: {  	_ =	shalt  }
0x5f: {  	_ =	shalt  }
0x60: {  	_ =	shalt  }
0x61: {  	_ =	shalt  }
0x62: {  	_ =	shalt  }
0x63: {  	_ =	shalt  }
0x64: {  	_ =	shalt  }
0x65: {  	_ =	shalt  }
0x66: {  	_ =	shalt  }
0x67: {  	_ =	shalt  }
0x68: {  	_ =	shalt  }
0x69: {  	_ =	shalt  }
0x6a: {  	_ =	shalt  }
0x6b: {  	_ =	shalt  }
0x6c: {  	_ =	shalt  }
0x6d: {  	_ =	shalt  }
0x6e: {  	_ =	shalt  }
0x6f: {  	_ =	shalt  }
0x70: {  	_ =	shalt  }
0x71: {  	_ =	shalt  }
0x72: {  	_ =	shalt  }
0x73: {  	_ =	shalt  }
0x74: {  	_ =	shalt  }
0x75: {  	_ =	shalt  }
0x76: {  	_ =	shalt  }
0x77: {  	_ =	shalt  }
0x78: {  	_ =	shalt  }
0x79: {  	_ =	shalt  }
0x7a: {  	_ =	shalt  }
0x7b: {  	_ =	shalt  }
0x7c: {  	_ =	shalt  }
0x7d: {  	_ =	shalt  }
0x7e: {  	_ =	shalt  }
0x7f: {  	_ =	shalt  }
0x80: {  	_ =	shalt  }
0x81: {  	_ =	shalt  }
0x82: {  	_ =	shalt  }
0x83: {  	_ =	shalt  }
0x84: {  	_ =	shalt  }
0x85: {  	_ =	shalt  }
0x86: {  	_ =	shalt  }
0x87: {  	_ =	shalt  }
.Lfunc_end0:
.L_simem_size_0:
called_computation.2_lowered:
.L_overlay_start_0:
0x88: {  	s2 =	sld [smem:$0x3FD9]  }
0x89: {  	s3 =	sld [smem:$0x3FFE];
	_ =	sdelay $0x1  }
0x8a: {  	s1 =	srdreg.scid  }
0x8b: {  	s0 =	sand.u32 $0x1, s1  }
0x8c: {  	s16 =	sshll.u32 s0, $0xA;
	s2 =	sadd.s32 s3, s2  }
0x8d: {  	s2 =	sadd.s32 s2, s16  }
0x8e: {  	[smem:$0x3FC3] =	sst s2  }
0x8f: {  	_ = 	snop  }
0x90: {  	(tm) =	ssettm $0x1  }
0x91: {  	s17 =	sld [smem:$0x3FFB];
	_ =	sdelay $0x3  }
0x92: {  	_ =	strace s17  }
0x93: {  	s2 =	sld [smem:$0x3FFC];
	_ =	sdelay $0x3  }
0x94: {  	_ =	strace s2  }
0x95: {  	s2 =	sld [smem:$0x3FFD];
	_ =	sdelay $0x3  }
0x96: {  	_ =	strace s2  }
0x97: {  	_ =	strace $0x8FFFFFFF  }
0x98: {  	s18 =	sld [smem:$0x3FDB];
	_ =	sdelay $0x1  }
0x99: {  	s19 =	simm.s32 $_scs_section_size  }
0x9a: {  	s4 =	simm.s32 $_size__tile_overlayer_lowered;
	s5 =	simm.s32 $_tile_overlayer_lowered  }
0x9b: {  	s22 =	simm.s32 $0x1BFF;
	s21 =	sshll.u32 s5, $0x1;
	s2 =	sadd.s32 s19, s18  }
0x9c: {  	s6 =	simm.s32 $0x0;
	s20 =	sshll.u32 s4, $0x1;
	s4 =	sadd.s32 s21, s2  }
0x9d: {  	[timem:s6], [sflag:s22] =	dma.local [hbm:s4], s20  }
0x9e: {  	_ =	swait.ge [sflag:s22], s20  }
0x9f: {  	s3 =	ssub.s32 $0x0, s20;
	[sflag:s22] =	ssyncset.done $0x0  }
0xa0: {  	[sflag:s22] =	ssyncadd.s32 s3;
	_ =	sdelay $0x1  }
0xa1: {  	s23 =	simm.s32 $0x1B8B  }
0xa2: {  	_ =	swait.ge [sflag:s23], $0x1  }
0xa3: {  	[sflag:s23] =	ssyncset.done $0x0  }
0xa4: {  	s25 =	simm.s32 $0x1B8E;
	s24 =	sld [smem:$0x3FFE];
	[sflag:s23] =	ssyncadd.s32 $0xFFFFFFFF  }
0xa5: {  	s26 =	simm.s32 $execute0_lowered;
	[smem:$0x3FD2] =	sst s25  }
0xa6: {  	s4 =	sshll.u32 s26, $0x1;
	_ =	strace $0x8000004C;
	[dreg:$0x1] =	wrdreg $0xFFFFFFFF  }
0xa7: {  	s28 =	simm.s32 $_size_execute0_lowered;
	s2 =	sadd.s32 s2, s4;
	[dreg:$0x0] =	wrdreg $0x0  }
0xa8: {  	s4 =	sshll.u32 s28, $0x1;
	[dreg:$0x2] =	wrdreg s2  }
0xa9: {  	[dreg:$0x3] =	wrdreg s4  }
0xaa: {  	[dreg:$0x4] =	wrdreg $0xC0  }
0xab: {  	_ =	task [dreg:s6], $0x5FFFF  }
0xac: {  	[dreg:$0x1] =	wrdreg $0xFFFFFFFF  }
0xad: {  	[dreg:$0x0] =	wrdreg $0x60  }
0xae: {  	[dreg:$0x2] =	wrdreg s24  }
0xaf: {  	[dreg:$0x3] =	wrdreg $0xB1000  }
0xb0: {  	[dreg:$0x4] =	wrdreg $0x9  }
0xb1: {  	_ =	task.clear_ibuf [dreg:s6], $0x5FFFF;
	_ =	strace $0x9000004C  }
0xb2: {  	s29 =	simm.s32 $0x9;
	_ =	strace $0x8000004E  }
0xb3: {  	_ =	swait.ge [sflag:s29], $0x1  }
0xb4: {  	[sflag:s29] =	ssyncadd.s32 $0xFFFFFFFF  }
0xb5: {  	_ =	strace $0x9000004E  }
0xb6: {  	_ =	sfence  }
0xb7: {  	s30 =	sld [smem:$0x0];
	_ =	sdelay $0x2  }
0xb8: {  	s31 =	sshll.u32 s1, $0xD;
	s1 =	sshrl.u32 s1, $0x2  }
0xb9: {  	s3 =	sand.u32 $0x4000, s31;
	s1 =	sadd.s32 s1, s30  }
0xba: {  	s0 =	sor.u32 s3, s0;
	s1 =	sshll.u32 s1, $0x11  }
0xbb: {  	s0 =	sor.u32 s1, s0  }
0xbc: {  	s0 =	sadd.s32 $0x8F2B, s0  }
0xbd: {  	[sflag:s0] =	ssyncadd.remote.s32 $0x1  }
0xbe: {  	_ =	sfence.sel $0xFFFF  }
0xbf: {  	[dreg:$0x0] =	wrdreg $0xFFFFFFFF;
	(pc) =	sbr.abs _section_cstart, $3  }
0xc0: {  	[dreg:$0x1] =	wrdreg $0xFFFFFFFF  }
0xc1: {  	_ =	task.clear_ibuf [dreg:s6], $0x2FFFF;
	_ =	strace $0x9FFFFFFF  }
0xc2: {  	(tm) =	ssettm $0x7FFFFFFF  }
0xc3: {  	_ =	shalt  }
tec
execute0_lowered:
.L_overlay_start_1:
0x0: {  	(tag) =	ssettag $0x1  }
0x1: {  	s18 =	stileid.u32  }
0x2: {  	s1 =	srdreg.scid;
	s8 =	smul.u32 $0x500, s18  }
0x3: {  	s0 =	rddreg [dreg:$0x0];
	s1 =	sand.u32 $0x1, s1;
	s26 =	smul.u32 $0x5000, s18  }
0x4: {  	s2 =	rddreg [dreg:$0x1];
	s9 =	sor.u32 $0x10, s18;
	s6 =	smul.u32 $0x27100, s1  }
0x5: {  	s3 =	simm.s32 $0x0;
	s12 =	sor.u32 $0x20, s18;
	s11 =	smul.u32 $0x500, s9  }
0x6: {  	s29 =	simm.s32 $0x5;
	s13 =	sor.u32 $0x30, s18;
	s24 =	smul.u32 $0x500, s12  }
0x7: {  	s30 =	simm.s32 $0x2800;
	s19 =	sor.u32 $0x40, s18;
	s15 =	smul.u32 $0x500, s13  }
0x8: {  	s31 =	simm.s32 $0x80;
	s20 =	sor.u32 $0x50, s18;
	s17 =	smul.u32 $0x500, s19  }
0x9: {  	s4 =	sshll.u32 s18, $0x1;
	[smem:$0x7FF] =	sst s3;
	s25 =	smul.u32 $0x500, s20  }
0xa: {  	s4 =	sor.u32 s1, s4;
	s14 =	ssub.s32 $0x2, s1;
	s1 =	smul.u32 $0x2800, s1  }
0xb: {  	s10 =	sadd.s32 $0x32E00, s0;
	s21 =	sor.u32 $0x70, s18;
	s5 =	smul.u32 $0x2800, s4  }
0xc: {  	_ =	strace $0x8000004D;
	s22 =	smul.u32 $0x500, s21;
	p0 =	sgt.u32 s21, $0x7C  }
0xd: {  	s4 =	sadd.s32 $0x1C00, s0;
	s16 =	sshrl.u32 s14, $0x1;
	s5 =	sshrl.u32 s5, $0x3  }
0xe: {  	s14 =	ssub.s32 s14, s16;
	s7 =	sadd.s32 s5, s0;
	s0 =	sadd.s32 s6, s0  }
0xf: {  	s1 =	sadd.s32 s1, s26;
	s7 =	sadd.s32 $0x28E00, s7;
	s0 =	sadd.s32 $0x3CE00, s0  }
0x10: {  	s28 =	sadd.s32 s10, s5;
	[dreg:$0x3] =	wrdreg s7;
	s8 =	sadd.s32 s0, s8  }
0x11: {  	s5 =	sor.u32 $0x180, s1;
	s11 =	sadd.s32 s0, s11;
	[dreg:$0x4] =	wrdreg s8  }
0x12: {  	s1 =	sor.u32 $0x100, s1;
	s6 =	sadd.s32 s0, s24;
	[dreg:$0x5] =	wrdreg s11  }
0x13: {  	s23 =	sadd.s32 s0, s15;
	s7 =	smul.u32 $0xA000, s12;
	[dreg:$0x6] =	wrdreg s6  }
0x14: {  	s24 =	sadd.s32 s0, s17;
	s12 =	smul.u32 $0xA000, s18;
	[dreg:$0x7] =	wrdreg s23  }
0x15: {  	s25 =	sadd.s32 s0, s25;
	[dreg:$0x8] =	wrdreg s24;
	s6 =	smul.u32 $0xA000, s9  }
0x16: {  	s8 =	sor.u32 $0x60, s18;
	[dreg:$0x9] =	wrdreg s25;
	s23 =	smul.u32 $0xA000, s19  }
0x17: {  	s9 =	sshrl.u32 s1, $0x3;
	s11 =	sshll.u32 s18, $0xB;
	s24 =	smul.u32 $0xA000, s20  }
0x18: {  	s18 =	smax.u32 s14, $0x1;
	s25 =	smul.u32 $0xA000, s21;
	s20 =	smov.u32 s28  }
0x19: {  	s28 =	sadd.s32 $0x10, s28;
	s16 =	smul.u32 $0x500, s8;
	s17 =	sadd.s32 s11, s2  }
0x1a: {  	[dreg:$0xc] =	wrdreg s18;
	s1 =	sshrl.u32 s12, $0x2;
	s8 =	smul.u32 $0xA000, s8  }
0x1b: {  	s11 =	simm.s32 $0x0;
	s1 =	sadd.s32 s1, s2;
	s26 =	sadd.s32 s0, s16  }
0x1c: {  	s0 =	sadd.s32 s0, s22;
	s16 =	sadd.s32 s9, s10;
	s22 =	smul.u32 $0xA000, s13  }
0x1d: {  	s9 =	sshrl.u32 s24, $0x2;
	s8 =	sshrl.u32 s8, $0x2;
	[dreg:$0xa] =	wrdreg s26  }
0x1e: {  	s1 =	sshrl.u32 s1, $0x3;
	[dreg:$0xb] =	wrdreg s0;
	s0 =	sshrl.u32 s5, $0x3  }
0x1f: {  	s5 =	sshrl.u32 s6, $0x2;
	s6 =	sshrl.u32 s7, $0x2;
	s7 =	sshrl.u32 s23, $0x2  }
0x20: {  	s9 =	sadd.s32 s9, s2;
	s8 =	sadd.s32 s8, s2;
	[dreg:$0xd] =	wrdreg s1  }
0x21: {  	s1 =	simm.s32 $0x2900;
	s15 =	sadd.s32 s0, s10;
	s5 =	sadd.s32 s5, s2  }
0x22: {  	s0 =	sshrl.u32 s22, $0x2;
	s6 =	sadd.s32 s6, s2;
	s7 =	sadd.s32 s7, s2  }
0x23: {  	s10 =	sshrl.u32 s25, $0x2;
	s24 =	sshrl.u32 s9, $0x3;
	s25 =	sshrl.u32 s8, $0x3  }
0x24: {  	s8 =	simm.s32 $0x1;
	s9 =	simm.s32 $0x3;
	s0 =	sadd.s32 s0, s2  }
0x25: {  	s10 =	sadd.s32 s10, s2;
	s26 =	sshrl.u32 s5, $0x3;
	s21 =	sshrl.u32 s6, $0x3  }
0x26: {  	s23 =	sshrl.u32 s7, $0x3;
	s5 =	simm.s32 $0x6900;
	s7 =	simm.s32 $0xA900  }
0x27: {  	s6 =	simm.s32 $0x2;
	[dreg:$0xe] =	wrdreg s26;
	s22 =	sshrl.u32 s0, $0x3  }
0x28: {  	v0 =	vimm.f32 $0.0e+00;
	s26 =	sshrl.u32 @!p0 s10, $0x3;
	s0 =	simm.s32 $0x2880;
	s10 =	simm.s32 $0x4  }
.LBB2_1:
0x29: {  	s12 =	rddreg [dreg:$0x3]  }
0x2a: {  	[tilespmem:s3], [sflag:$0x5] =	stream.linear.gather [hbm4b:s12+s3], $0x2800, $0x38;
	[tilespmem:$0x1F100] =	vst v63  }
0x2b: {  	_ =	swait.ge [sflag:s29], $0x2800  }
0x2c: {  	[sflag:s29] =	ssyncset.done $0x0  }
0x2d: {  	[sflag:s29] =	ssyncadd.s32 $0xFFFFD800  }
0x2e: {  	[tilespmem:s30], [sflag:$0x1] =	stream.linear.gather [hbm4b:s20+s3], $0x80, $0x38;
	[tilespmem:$0x1F100] =	vst v63  }
0x2f: {  	_ = 	snop  }
0x30: {  	[tilespmem:s1], [sflag:$0x3] =	stream.indirect.gather [hbm4b:s4+s31], $0x80, s3, s31, $0xb8;
	[tilespmem:$0x1F100] =	vst v63  }
0x31: {  	_ = 	snop  }
0x32: {  	[tilespmem:s0], [sflag:$0x2] =	stream.linear.gather [hbm4b:s28+s3], $0x80, $0x38;
	[tilespmem:$0x1F100] =	vst v63  }
0x33: {  	s13 =	simm.s32 $0x200;
	s12 =	simm.s32 $0x0  }
0x34: {  	[tilespmem:s5], [sflag:$0x4] =	stream.indirect.gather [hbm4b:s4+s31], $0x80, s31, s31, $0xb8;
	[tilespmem:$0x1F100] =	vst v63  }
.LBB2_2:
0x35: {  	p1 =	sne.s32 s13, $0x1E00;
	[tilespmem:s12+$0xA970] =	vst v0  }
0x36: {  	[tilespmem:s12+$0xA900] =	vst v0  }
0x37: {  	[tilespmem:s12+$0xA910] =	vst v0  }
.Ltmp0:
0x38: {  	[tilespmem:s12+$0xA920] =	vst v0;
	(pc) =	sbr.rel @p1 .LBB2_2-.Ltmp0, $4  }
0x39: {  	[tilespmem:s12+$0xA930] =	vst v0  }
0x3a: {  	[tilespmem:s12+$0xA940] =	vst v0  }
0x3b: {  	[tilespmem:s12+$0xA950] =	vst v0  }
0x3c: {  	[tilespmem:s12+$0xA960] =	vst v0;
	s12 =	sshra.s32 s13, $0x2;
	s13 =	sadd.s32 $0x200, s13  }
0x3d: {  	[tilespmem:s12+$0xA970] =	vst v0  }
0x3e: {  	[tilespmem:s12+$0xA900] =	vst v0  }
0x3f: {  	[tilespmem:s12+$0xA910] =	vst v0  }
0x40: {  	[tilespmem:s12+$0xA920] =	vst v0  }
0x41: {  	[tilespmem:s12+$0xA930] =	vst v0  }
0x42: {  	[tilespmem:s12+$0xA940] =	vst v0  }
0x43: {  	[tilespmem:s12+$0xA950] =	vst v0  }
0x44: {  	[tilespmem:s12+$0xA960] =	vst v0;
	s19 =	sadd.s32 $0x0, s17  }
0x45: {  	[spmem:s19] =	stream.linear.scatter [tilespmem:s7], [sflag:$0x5], $0x800, $0x38;
	[tilespmem:$0x1F100] =	vst v63  }
0x46: {  	s12 =	simm.s32 $0x20000;
	_ =	swait.ge [sflag:s29], $0x800  }
.LBB2_4:
0x47: {  	s13 =	sshra.s32 s12, $0x2;
	[sflag:s29] =	ssyncset.done $0x0;
	p1 =	sne.s32 s12, $0x4E0000  }
.Ltmp1:
0x48: {  	s13 =	sadd.s32 s13, s17;
	[sflag:s29] =	ssyncadd.s32 $0xFFFFF800;
	(pc) =	sbr.rel @p1 .LBB2_4-.Ltmp1, $3  }
0x49: {  	[spmem:s13] =	stream.linear.scatter [tilespmem:s7], [sflag:$0x5], $0x800, $0x38;
	[tilespmem:$0x1F100] =	vst v63  }
0x4a: {  	s12 =	sadd.s32 $0x20000, s12;
	_ =	sdelay $0x1  }
0x4b: {  	_ =	swait.ge [sflag:s29], $0x800  }
0x4c: {  	[sflag:s29] =	ssyncset.done $0x0  }
0x4d: {  	[sflag:s29] =	ssyncadd.s32 $0xFFFFF800  }
0x4e: {  	[bflag:$0x0] =	sbarrier.arrive $0xFFFF  }
0x4f: {  	_ =	swait.ge [sflag:s8], $0x80  }
0x50: {  	[sflag:s8] =	ssyncset.done $0x0  }
0x51: {  	[sflag:s8] =	ssyncadd.s32 $0xFFFFFF80  }
0x52: {  	_ =	swait.ge [sflag:s9], $0x4000  }
0x53: {  	[sflag:s9] =	ssyncset.done $0x0  }
0x54: {  	[sflag:s9] =	ssyncadd.s32 $0xFFFFC000  }
0x55: {  	[spmem:s2] =	stream.indirect.scatter.add.f32 [tilespmem:s1], [sflag:$0x5], $0x80, s30, s31, $0xb8;
	[tilespmem:$0x1F100] =	vst v63  }
0x56: {  	_ =	swait.ge [sflag:s29], $0x4000  }
0x57: {  	[sflag:s29] =	ssyncset.done $0x0  }
0x58: {  	s12 =	sadd.s32 $0x0, s16;
	[sflag:s29] =	ssyncadd.s32 $0xFFFFC000  }
0x59: {  	[tilespmem:s30], [sflag:$0x1] =	stream.linear.gather [hbm4b:s12+s3], $0x80, $0x38;
	[tilespmem:$0x1F100] =	vst v63  }
0x5a: {  	s18 =	simm.s32 $0x100  }
0x5b: {  	[tilespmem:s1], [sflag:$0x3] =	stream.indirect.gather [hbm4b:s4+s31], $0x80, s18, s31, $0xb8;
	[tilespmem:$0x1F100] =	vst v63  }
0x5c: {  	_ =	swait.ge [sflag:s6], $0x80  }
0x5d: {  	[sflag:s6] =	ssyncset.done $0x0  }
0x5e: {  	[sflag:s6] =	ssyncadd.s32 $0xFFFFFF80  }
0x5f: {  	_ =	swait.ge [sflag:s10], $0x4000  }
0x60: {  	[sflag:s10] =	ssyncset.done $0x0  }
0x61: {  	[sflag:s10] =	ssyncadd.s32 $0xFFFFC000  }
0x62: {  	[spmem:s2] =	stream.indirect.scatter.add.f32 [tilespmem:s5], [sflag:$0x5], $0x80, s0, s31, $0xb8;
	[tilespmem:$0x1F100] =	vst v63  }
0x63: {  	_ =	swait.ge [sflag:s29], $0x4000  }
0x64: {  	s19 =	sadd.s32 $0x0, s15;
	s13 =	simm.s32 $0x20;
	[sflag:s29] =	ssyncset.done $0x0  }
0x65: {  	s14 =	simm.s32 $0x280;
	s12 =	simm.s32 $0x180;
	[sflag:s29] =	ssyncadd.s32 $0xFFFFC000  }
0x66: {  	[tilespmem:s0], [sflag:$0x2] =	stream.linear.gather [hbm4b:s19+s3], $0x80, $0x38;
	[tilespmem:$0x1F100] =	vst v63  }
.LBB2_6:
0x67: {  	[tilespmem:s5], [sflag:$0x4] =	stream.indirect.gather [hbm4b:s4+s31], $0x80, s12, s31, $0xb8;
	[tilespmem:$0x1F100] =	vst v63  }
0x68: {  	s18 =	smov.u32 s13;
	s12 =	smov.u32 s14  }
0x69: {  	p1 =	sne.s32 s13, $0x4C0;
	s13 =	sadd.s32 $0x20, s13;
	_ =	swait.ge [sflag:s8], $0x80  }
0x6a: {  	[sflag:s8] =	ssyncset.done $0x0  }
0x6b: {  	[sflag:s8] =	ssyncadd.s32 $0xFFFFFF80  }
0x6c: {  	_ =	swait.ge [sflag:s9], $0x4000  }
0x6d: {  	[sflag:s9] =	ssyncset.done $0x0  }
0x6e: {  	[sflag:s9] =	ssyncadd.s32 $0xFFFFC000  }
0x6f: {  	[spmem:s2] =	stream.indirect.scatter.add.f32 [tilespmem:s1], [sflag:$0x5], $0x80, s30, s31, $0xb8;
	[tilespmem:$0x1F100] =	vst v63  }
0x70: {  	_ =	swait.ge [sflag:s29], $0x4000  }
0x71: {  	[sflag:s29] =	ssyncset.done $0x0  }
0x72: {  	s19 =	sadd.s32 s18, s16;
	[sflag:s29] =	ssyncadd.s32 $0xFFFFC000  }
0x73: {  	[tilespmem:s30], [sflag:$0x1] =	stream.linear.gather [hbm4b:s19+s3], $0x80, $0x38;
	[tilespmem:$0x1F100] =	vst v63  }
0x74: {  	s19 =	sadd.s32 $0xFFFFFF80, s14  }
0x75: {  	[tilespmem:s1], [sflag:$0x3] =	stream.indirect.gather [hbm4b:s4+s31], $0x80, s19, s31, $0xb8;
	[tilespmem:$0x1F100] =	vst v63  }
0x76: {  	_ =	swait.ge [sflag:s6], $0x80  }
0x77: {  	[sflag:s6] =	ssyncset.done $0x0  }
0x78: {  	[sflag:s6] =	ssyncadd.s32 $0xFFFFFF80  }
0x79: {  	_ =	swait.ge [sflag:s10], $0x4000  }
0x7a: {  	[sflag:s10] =	ssyncset.done $0x0  }
0x7b: {  	[sflag:s10] =	ssyncadd.s32 $0xFFFFC000  }
0x7c: {  	[spmem:s2] =	stream.indirect.scatter.add.f32 [tilespmem:s5], [sflag:$0x5], $0x80, s0, s31, $0xb8;
	[tilespmem:$0x1F100] =	vst v63  }
.Ltmp2:
0x7d: {  	_ =	swait.ge [sflag:s29], $0x4000;
	(pc) =	sbr.rel @p1 .LBB2_6-.Ltmp2, $4  }
0x7e: {  	[sflag:s29] =	ssyncset.done $0x0  }
0x7f: {  	s18 =	sadd.s32 s18, s15;
	[sflag:s29] =	ssyncadd.s32 $0xFFFFC000  }
0x80: {  	[tilespmem:s0], [sflag:$0x2] =	stream.linear.gather [hbm4b:s18+s3], $0x80, $0x38;
	[tilespmem:$0x1F100] =	vst v63  }
0x81: {  	s14 =	sadd.s32 $0x100, s14  }
0x82: {  	[tilespmem:s5], [sflag:$0x4] =	stream.indirect.gather [hbm4b:s4+s31], $0x80, s12, s31, $0xb8;
	[tilespmem:$0x1F100] =	vst v63  }
0x83: {  	_ =	swait.ge [sflag:s8], $0x80  }
0x84: {  	[sflag:s8] =	ssyncset.done $0x0  }
0x85: {  	[sflag:s8] =	ssyncadd.s32 $0xFFFFFF80  }
0x86: {  	_ =	swait.ge [sflag:s9], $0x4000  }
0x87: {  	[sflag:s9] =	ssyncset.done $0x0  }
0x88: {  	[sflag:s9] =	ssyncadd.s32 $0xFFFFC000  }
0x89: {  	[spmem:s2] =	stream.indirect.scatter.add.f32 [tilespmem:s1], [sflag:$0x5], $0x80, s30, s31, $0xb8;
	[tilespmem:$0x1F100] =	vst v63  }
0x8a: {  	_ =	swait.ge [sflag:s29], $0x4000  }
0x8b: {  	[sflag:s29] =	ssyncset.done $0x0  }
0x8c: {  	[sflag:s29] =	ssyncadd.s32 $0xFFFFC000  }
0x8d: {  	_ =	swait.ge [sflag:s6], $0x80  }
0x8e: {  	[sflag:s6] =	ssyncset.done $0x0  }
0x8f: {  	[sflag:s6] =	ssyncadd.s32 $0xFFFFFF80  }
0x90: {  	_ =	swait.ge [sflag:s10], $0x4000  }
0x91: {  	[sflag:s10] =	ssyncset.done $0x0  }
0x92: {  	[sflag:s10] =	ssyncadd.s32 $0xFFFFC000  }
0x93: {  	[spmem:s2] =	stream.indirect.scatter.add.f32 [tilespmem:s5], [sflag:$0x5], $0x80, s0, s31, $0xb8;
	[tilespmem:$0x1F100] =	vst v63  }
0x94: {  	_ =	swait.ge [sflag:s29], $0x4000  }
0x95: {  	[sflag:s29] =	ssyncset.done $0x0  }
0x96: {  	[sflag:s29] =	ssyncadd.s32 $0xFFFFC000  }
0x97: {  	s14 =	stileid.u32;
	[bflag:$0x0] =	sbarrier.arrive $0xFFFF  }
0x98: {  	s12 =	sshll.u32 s14, $0x6;
	s13 =	rddreg [dreg:$0x4]  }
0x99: {  	s12 =	sor.u32 $0x1C05, s12;
	s14 =	rddreg [dreg:$0xd]  }
0x9a: {  	[hbm:s13], [sflag:s12] =	dma.local [spmem:s14], $0x500  }
0x9b: {  	_ =	swait.ge [sflag:s29], $0x500  }
0x9c: {  	[sflag:s29] =	ssyncset.done $0x0;
	s18 =	rddreg [dreg:$0x5]  }
0x9d: {  	s19 =	rddreg [dreg:$0xe];
	[sflag:s29] =	ssyncadd.s32 $0xFFFFFB00  }
0x9e: {  	[hbm:s18], [sflag:s12] =	dma.local [spmem:s19], $0x500  }
0x9f: {  	_ =	swait.ge [sflag:s29], $0x500  }
0xa0: {  	[sflag:s29] =	ssyncset.done $0x0  }
0xa1: {  	s14 =	rddreg [dreg:$0x6];
	[sflag:s29] =	ssyncadd.s32 $0xFFFFFB00  }
0xa2: {  	[hbm:s14], [sflag:s12] =	dma.local [spmem:s21], $0x500  }
0xa3: {  	_ =	swait.ge [sflag:s29], $0x500  }
0xa4: {  	[sflag:s29] =	ssyncset.done $0x0  }
0xa5: {  	s18 =	rddreg [dreg:$0x7];
	[sflag:s29] =	ssyncadd.s32 $0xFFFFFB00  }
0xa6: {  	[hbm:s18], [sflag:s12] =	dma.local [spmem:s22], $0x500  }
0xa7: {  	_ =	swait.ge [sflag:s29], $0x500  }
0xa8: {  	[sflag:s29] =	ssyncset.done $0x0  }
0xa9: {  	s19 =	rddreg [dreg:$0x8];
	[sflag:s29] =	ssyncadd.s32 $0xFFFFFB00  }
0xaa: {  	[hbm:s19], [sflag:s12] =	dma.local [spmem:s23], $0x500  }
0xab: {  	_ =	swait.ge [sflag:s29], $0x500  }
0xac: {  	[sflag:s29] =	ssyncset.done $0x0  }
0xad: {  	s14 =	rddreg [dreg:$0x9];
	[sflag:s29] =	ssyncadd.s32 $0xFFFFFB00  }
0xae: {  	[hbm:s14], [sflag:s12] =	dma.local [spmem:s24], $0x500  }
0xaf: {  	_ =	swait.ge [sflag:s29], $0x500  }
0xb0: {  	[sflag:s29] =	ssyncset.done $0x0  }
0xb1: {  	s18 =	rddreg [dreg:$0xa];
	[sflag:s29] =	ssyncadd.s32 $0xFFFFFB00  }
0xb2: {  	[hbm:s18], [sflag:s12] =	dma.local [spmem:s25], $0x500  }
0xb3: {  	_ =	swait.ge [sflag:s29], $0x500  }
0xb4: {  	[sflag:s29] =	ssyncset.done $0x0  }
0xb5: {  	s13 =	rddreg [dreg:$0xb];
	[sflag:s29] =	ssyncadd.s32 $0xFFFFFB00  }
0xb6: {  	[hbm:s13], [sflag:s12] =	dma.local @!p0 [spmem:s26], $0x500  }
0xb7: {  	s12 =	simm.s32 @!p0 $0x5  }
0xb8: {  	_ =	swait.ge @!p0 [sflag:s12], $0x500  }
0xb9: {  	s11 =	sadd.s32 $0x1, s11;
	s19 =	rddreg [dreg:$0xc]  }
0xba: {  	p1 =	sne.s32 s11, s19  }
.Ltmp3:
0xbb: {  	_ = 	snop;
	(pc) =	sbr.rel @p1 .LBB2_1-.Ltmp3, $3  }
0xbc: {  	_ =	sdelay $0x1  }
0xbd: {  	[sflag:s12] =	ssyncset.done @!p0 $0x0  }
0xbe: {  	[sflag:s12] =	ssyncadd.s32 @!p0 $0xFFFFFB00  }
0xbf: {  	_ =	sfence.sel $0x180000  }
0xc0: {  	[bflag:$0x0] =	sbarrier.arrive $0xFFFF  }
0xc1: {  	_ =	strace $0x9000004D  }
0xc2: {  	s0 =	stileid.u32;
	[bflag:$0x2] =	sbarrier.arrive $0xFFFF  }
0xc3: {  	p0 =	sne.s32 s0, $0x0;
	s0 =	rddreg [dreg:$0x2]  }
0xc4: {  	s0 =	sadd.s32 @!p0 $0x100000, s0  }
0xc5: {  	[sflag:s0] =	ssyncadd.tile.s32 @!p0 $0x1;
	_ =	shalt  }
.Lfunc_end2:
_tile_overlayer_lowered:
.L_overlay_start_2:
0xc6: {  	(tag) =	ssettag $0x2  }
0xc7: {  	s0 =	rddreg [dreg:$0x0];
	s2 =	stileid.u32  }
0xc8: {  	s1 =	rddreg [dreg:$0x1];
	p0 =	sne.s32 s2, $0x0  }
0xc9: {  	s3 =	rddreg [dreg:$0x2];
	[bflag:$0x3] =	sbarrier.arrive $0xFFFF;
	s2 =	simm.s32 @!p0 $0x1C05  }
0xca: {  	[timem:s3], [sflag:s2] =	dma.local @!p0 [hbm:s0], s1  }
0xcb: {  	s0 =	simm.s32 @!p0 $0x5  }
0xcc: {  	_ =	swait.ge @!p0 [sflag:s0], s1  }
0xcd: {  	s1 =	ssub.s32 @!p0 $0x0, s1;
	[sflag:s0] =	ssyncset.done @!p0 $0x0  }
0xce: {  	[sflag:s0] =	ssyncadd.s32 @!p0 s1  }
0xcf: {  	[bflag:$0x3] =	sbarrier.arrive $0xFFFF  }
0xd0: {  	_ =	shalt  }

// kernel: kernel.9.cloned.1.call-start
scs
__scs_entry_jumppad:
0x0: {  	(pc) =	sbr.rel $0x88, $3  }
0x1: {  	(tag) =	ssettag $0x0;
	lr =	simm.s32 $0x1  }
0x2: {  	[smem:$0x3F9C] =	sst lr;
	_ =	strace $0xD0000000  }
0x3: {  	_ = 	snop  }
0x4: {  	_ = 	snop  }
0x5: {  	_ = 	snop  }
0x6: {  	_ = 	snop  }
0x7: {  	_ = 	snop  }
__scs_overlays_trampoline_lowered:
0x8: {  	[smem:$0x3FAB] =	sst s0  }
0x9: {  	[smem:$0x3FAC] =	sst s1  }
0xa: {  	[smem:$0x3FAD] =	sst s2  }
0xb: {  	[smem:$0x3FAE] =	sst s3  }
0xc: {  	[smem:$0x3FAF] =	sst s4  }
0xd: {  	[smem:$0x3FB0] =	sst s5  }
0xe: {  	[smem:$0x3FB1] =	sst s6  }
0xf: {  	[smem:$0x3FB2] =	sst s7  }
0x10: {  	[smem:$0x3FB3] =	sst s8  }
0x11: {  	[smem:$0x3FB4] =	sst s9;
	s0 =	simm.s32 @!p0 $0x0  }
0x12: {  	s1 =	sld [smem:$0x3F9A];
	s0 =	simm.s32 @p0 $0x1  }
0x13: {  	[smem:$0x3FB5] =	sst s0;
	s0 =	simm.s32 @!p1 $0x0  }
0x14: {  	s2 =	sld [smem:$0x3F99];
	s0 =	simm.s32 @p1 $0x1  }
0x15: {  	[smem:$0x3FB6] =	sst s0;
	s0 =	simm.s32 @!p2 $0x0  }
0x16: {  	s3 =	sld [smem:$0x3FDB];
	s0 =	simm.s32 @p2 $0x1  }
0x17: {  	s4 =	simm.s32 $0x1BF5;
	[smem:$0x3FB8] =	sst s0  }
0x18: {  	s0 =	sld [smem:$0x3F9B];
	_ =	swait.ge [sflag:s4], $0x0  }
0x19: {  	s7 =	sld [smem:$0x3F9C]  }
0x1a: {  	s8 =	sadd.s32 $0xFFFFE003, lr  }
0x1b: {  	s9 =	sadd.s32 $0xFFFFFEF7, lr;
	s5 =	simm.s32 $0xFFFFFFFF;
	p2 =	slt.u32 s8, $0xFFFFF086  }
0x1c: {  	p1 =	slt.u32 s9, $0xF7A;
	s5 =	simm.s32 @!p2 $0x0  }
0x1d: {  	s5 =	simm.s32 @p1 $0x1;
	p0 =	seq.s32 s7, s2  }
0x1e: {  	s7 =	smul.u32 @!p0 $0xF7A, s2;
	p2 =	seq.s32 @!p0 s5, $0x0  }
0x1f: {  	s9 =	smul.u32 $0xF7A, s1;
	s8 =	simm.s32 @!p0 $0x1BF5;
	p2 =	por !p2, p0  }
0x20: {  	[sflag:s8] =	ssyncset.s32 @!p0 $0xFFFFF086;
	s6 =	sadd.s32 @!p0 s3, s7;
	s7 =	simm.s32 @!p0 $0x108  }
0x21: {  	s3 =	sadd.s32 s3, s9;
	s6 =	sadd.s32 @!p0 $0x88, s6;
	s7 =	simm.s32 @p2 $0x1082  }
0x22: {  	[simem:s7], [sflag:s8] =	dma.local @!p0 [hbm:s6], $0xF7A  }
0x23: {  	s9 =	sor.u32 $0xD0000000, s2;
	s6 =	simm.s32 $0x108;
	_ =	swait.ge @!p0 [sflag:s8], $0x0  }
0x24: {  	s3 =	sadd.s32 $0x88, s3;
	s6 =	simm.s32 @!p1 $0x1082;
	[sflag:s4] =	ssyncset.s32 $0xFFFFF086  }
0x25: {  	[simem:s6], [sflag:s4] =	dma.local [hbm:s3], $0xF7A  }
0x26: {  	[smem:$0x3F9C] =	sst s1;
	(tag) =	ssettag s2;
	_ =	strace s9  }
0x27: {  	s1 =	sld [smem:$0x3FAC]  }
0x28: {  	s2 =	sld [smem:$0x3FAD]  }
0x29: {  	s4 =	sld [smem:$0x3FAF]  }
0x2a: {  	p0 =	seq.s32 s5, $0x0;
	s5 =	sld [smem:$0x3FB0]  }
0x2b: {  	s6 =	sld [smem:$0x3FB1]  }
0x2c: {  	s7 =	sld [smem:$0x3FB2]  }
0x2d: {  	s3 =	simm.s32 $0x108;
	s8 =	sld [smem:$0x3FB3]  }
0x2e: {  	s3 =	simm.s32 @!p0 $0x1082;
	s9 =	sld [smem:$0x3FB4]  }
0x2f: {  	lr =	sadd.s32 s0, s3;
	s0 =	sld [smem:$0x3FAB]  }
0x30: {  	s3 =	sld [smem:$0x3FAE]  }
0x31: {  	[smem:$0x3FB7] =	sst s10  }
0x32: {  	s10 =	sld [smem:$0x3FB5];
	_ =	sdelay $0x3  }
0x33: {  	p0 =	seq.s32 s10, $0x1;
	s10 =	sld [smem:$0x3FB7];
	_ =	sdelay $0x3  }
0x34: {  	[smem:$0x3FB7] =	sst s10  }
0x35: {  	s10 =	sld [smem:$0x3FB6];
	_ =	sdelay $0x3  }
0x36: {  	p1 =	seq.s32 s10, $0x1;
	s10 =	sld [smem:$0x3FB7];
	_ =	sdelay $0x3  }
0x37: {  	[smem:$0x3FB7] =	sst s10  }
0x38: {  	s10 =	sld [smem:$0x3FB8]  }
0x39: {  	_ = 	snop;
	(pc) =	sbr.ind lr, $3  }
0x3a: {  	_ = 	snop  }
0x3b: {  	_ = 	snop  }
0x3c: {  	p2 =	seq.s32 s10, $0x1;
	s10 =	sld [smem:$0x3FB7]  }
0x3d: {  	_ =	shalt  }
0x3e: {  	_ =	shalt  }
0x3f: {  	_ =	shalt  }
0x40: {  	_ =	shalt  }
0x41: {  	_ =	shalt  }
0x42: {  	_ =	shalt  }
0x43: {  	_ =	shalt  }
0x44: {  	_ =	shalt  }
0x45: {  	_ =	shalt  }
0x46: {  	_ =	shalt  }
0x47: {  	_ =	shalt  }
0x48: {  	_ =	shalt  }
0x49: {  	_ =	shalt  }
0x4a: {  	_ =	shalt  }
0x4b: {  	_ =	shalt  }
0x4c: {  	_ =	shalt  }
0x4d: {  	_ =	shalt  }
0x4e: {  	_ =	shalt  }
0x4f: {  	_ =	shalt  }
0x50: {  	_ =	shalt  }
0x51: {  	_ =	shalt  }
0x52: {  	_ =	shalt  }
0x53: {  	_ =	shalt  }
0x54: {  	_ =	shalt  }
0x55: {  	_ =	shalt  }
0x56: {  	_ =	shalt  }
0x57: {  	_ =	shalt  }
0x58: {  	_ =	shalt  }
0x59: {  	_ =	shalt  }
0x5a: {  	_ =	shalt  }
0x5b: {  	_ =	shalt  }
0x5c: {  	_ =	shalt  }
0x5d: {  	_ =	shalt  }
0x5e: {  	_ =	shalt  }
0x5f: {  	_ =	shalt  }
0x60: {  	_ =	shalt  }
0x61: {  	_ =	shalt  }
0x62: {  	_ =	shalt  }
0x63: {  	_ =	shalt  }
0x64: {  	_ =	shalt  }
0x65: {  	_ =	shalt  }
0x66: {  	_ =	shalt  }
0x67: {  	_ =	shalt  }
0x68: {  	_ =	shalt  }
0x69: {  	_ =	shalt  }
0x6a: {  	_ =	shalt  }
0x6b: {  	_ =	shalt  }
0x6c: {  	_ =	shalt  }
0x6d: {  	_ =	shalt  }
0x6e: {  	_ =	shalt  }
0x6f: {  	_ =	shalt  }
0x70: {  	_ =	shalt  }
0x71: {  	_ =	shalt  }
0x72: {  	_ =	shalt  }
0x73: {  	_ =	shalt  }
0x74: {  	_ =	shalt  }
0x75: {  	_ =	shalt  }
0x76: {  	_ =	shalt  }
0x77: {  	_ =	shalt  }
0x78: {  	_ =	shalt  }
0x79: {  	_ =	shalt  }
0x7a: {  	_ =	shalt  }
0x7b: {  	_ =	shalt  }
0x7c: {  	_ =	shalt  }
0x7d: {  	_ =	shalt  }
0x7e: {  	_ =	shalt  }
0x7f: {  	_ =	shalt  }
0x80: {  	_ =	shalt  }
0x81: {  	_ =	shalt  }
0x82: {  	_ =	shalt  }
0x83: {  	_ =	shalt  }
0x84: {  	_ =	shalt  }
0x85: {  	_ =	shalt  }
0x86: {  	_ =	shalt  }
0x87: {  	_ =	shalt  }
.Lfunc_end0:
.L_simem_size_0:
called_computation_lowered:
.L_overlay_start_0:
0x88: {  	s2 =	sld [smem:$0x3FD9]  }
0x89: {  	s3 =	sld [smem:$0x3FFE];
	_ =	sdelay $0x1  }
0x8a: {  	s1 =	srdreg.scid  }
0x8b: {  	s0 =	sand.u32 $0x1, s1  }
0x8c: {  	s16 =	sshll.u32 s0, $0xA;
	s2 =	sadd.s32 s3, s2  }
0x8d: {  	s2 =	sadd.s32 s2, s16  }
0x8e: {  	[smem:$0x3FC3] =	sst s2  }
0x8f: {  	_ = 	snop  }
0x90: {  	(tm) =	ssettm $0x1  }
0x91: {  	s17 =	sld [smem:$0x3FFB];
	_ =	sdelay $0x3  }
0x92: {  	_ =	strace s17  }
0x93: {  	s2 =	sld [smem:$0x3FFC];
	_ =	sdelay $0x3  }
0x94: {  	_ =	strace s2  }
0x95: {  	s2 =	sld [smem:$0x3FFD];
	_ =	sdelay $0x3  }
0x96: {  	_ =	strace s2  }
0x97: {  	_ =	strace $0x8FFFFFFF  }
0x98: {  	s18 =	sld [smem:$0x3FDB];
	_ =	sdelay $0x1  }
0x99: {  	s19 =	simm.s32 $_scs_section_size  }
0x9a: {  	s4 =	simm.s32 $_size__tile_overlayer_lowered;
	s5 =	simm.s32 $_tile_overlayer_lowered  }
0x9b: {  	s22 =	simm.s32 $0x1BFF;
	s21 =	sshll.u32 s5, $0x1;
	s2 =	sadd.s32 s19, s18  }
0x9c: {  	s6 =	simm.s32 $0x0;
	s20 =	sshll.u32 s4, $0x1;
	s4 =	sadd.s32 s21, s2  }
0x9d: {  	[timem:s6], [sflag:s22] =	dma.local [hbm:s4], s20  }
0x9e: {  	_ =	swait.ge [sflag:s22], s20  }
0x9f: {  	s3 =	ssub.s32 $0x0, s20;
	[sflag:s22] =	ssyncset.done $0x0  }
0xa0: {  	[sflag:s22] =	ssyncadd.s32 s3;
	_ =	sdelay $0x1  }
0xa1: {  	s23 =	simm.s32 $0x1B8B  }
0xa2: {  	_ =	swait.ge [sflag:s23], $0x1  }
0xa3: {  	[sflag:s23] =	ssyncset.done $0x0  }
0xa4: {  	s25 =	simm.s32 $0x1B8E;
	s24 =	sld [smem:$0x3FFE];
	[sflag:s23] =	ssyncadd.s32 $0xFFFFFFFF  }
0xa5: {  	s26 =	simm.s32 $execute0_lowered;
	[smem:$0x3FD2] =	sst s25  }
0xa6: {  	s4 =	sshll.u32 s26, $0x1;
	_ =	strace $0x80000046;
	[dreg:$0x1] =	wrdreg $0xFFFFFFFF  }
0xa7: {  	s28 =	simm.s32 $_size_execute0_lowered;
	s2 =	sadd.s32 s2, s4;
	[dreg:$0x0] =	wrdreg $0x0  }
0xa8: {  	s4 =	sshll.u32 s28, $0x1;
	[dreg:$0x2] =	wrdreg s2  }
0xa9: {  	[dreg:$0x3] =	wrdreg s4  }
0xaa: {  	[dreg:$0x4] =	wrdreg $0xC0  }
0xab: {  	_ =	task [dreg:s6], $0x5FFFF  }
0xac: {  	[dreg:$0x1] =	wrdreg $0xFFFFFFFF  }
0xad: {  	[dreg:$0x0] =	wrdreg $0x60  }
0xae: {  	[dreg:$0x2] =	wrdreg s24  }
0xaf: {  	[dreg:$0x3] =	wrdreg $0xB1000  }
0xb0: {  	[dreg:$0x4] =	wrdreg $0x9  }
0xb1: {  	_ =	task.clear_ibuf [dreg:s6], $0x5FFFF;
	_ =	strace $0x90000046  }
0xb2: {  	s29 =	simm.s32 $0x9;
	_ =	strace $0x80000048  }
0xb3: {  	_ =	swait.ge [sflag:s29], $0x1  }
0xb4: {  	[sflag:s29] =	ssyncadd.s32 $0xFFFFFFFF  }
0xb5: {  	_ =	strace $0x90000048  }
0xb6: {  	_ =	sfence  }
0xb7: {  	s30 =	sld [smem:$0x0];
	_ =	sdelay $0x2  }
0xb8: {  	s31 =	sshll.u32 s1, $0xD;
	s1 =	sshrl.u32 s1, $0x2  }
0xb9: {  	s3 =	sand.u32 $0x4000, s31;
	s1 =	sadd.s32 s1, s30  }
0xba: {  	s0 =	sor.u32 s3, s0;
	s1 =	sshll.u32 s1, $0x11  }
0xbb: {  	s0 =	sor.u32 s1, s0  }
0xbc: {  	s0 =	sadd.s32 $0x8F2B, s0  }
0xbd: {  	[sflag:s0] =	ssyncadd.remote.s32 $0x1  }
0xbe: {  	_ =	sfence.sel $0xFFFF  }
0xbf: {  	[dreg:$0x0] =	wrdreg $0xFFFFFFFF;
	(pc) =	sbr.abs _section_cstart, $3  }
0xc0: {  	[dreg:$0x1] =	wrdreg $0xFFFFFFFF  }
0xc1: {  	_ =	task.clear_ibuf [dreg:s6], $0x2FFFF;
	_ =	strace $0x9FFFFFFF  }
0xc2: {  	(tm) =	ssettm $0x7FFFFFFF  }
0xc3: {  	_ =	shalt  }
tec
execute0_lowered:
.L_overlay_start_1:
0x0: {  	(tag) =	ssettag $0x1  }
0x1: {  	s18 =	stileid.u32  }
0x2: {  	s1 =	srdreg.scid;
	s8 =	smul.u32 $0x500, s18  }
0x3: {  	s0 =	rddreg [dreg:$0x0];
	s1 =	sand.u32 $0x1, s1;
	s26 =	smul.u32 $0x5000, s18  }
0x4: {  	s2 =	rddreg [dreg:$0x1];
	s9 =	sor.u32 $0x10, s18;
	s6 =	smul.u32 $0x27100, s1  }
0x5: {  	s3 =	simm.s32 $0x0;
	s12 =	sor.u32 $0x20, s18;
	s11 =	smul.u32 $0x500, s9  }
0x6: {  	s29 =	simm.s32 $0x5;
	s13 =	sor.u32 $0x30, s18;
	s24 =	smul.u32 $0x500, s12  }
0x7: {  	s30 =	simm.s32 $0x2800;
	s19 =	sor.u32 $0x40, s18;
	s15 =	smul.u32 $0x500, s13  }
0x8: {  	s31 =	simm.s32 $0x80;
	s20 =	sor.u32 $0x50, s18;
	s17 =	smul.u32 $0x500, s19  }
0x9: {  	s4 =	sshll.u32 s18, $0x1;
	[smem:$0x7FF] =	sst s3;
	s25 =	smul.u32 $0x500, s20  }
0xa: {  	s4 =	sor.u32 s1, s4;
	s14 =	ssub.s32 $0x2, s1;
	s1 =	smul.u32 $0x2800, s1  }
0xb: {  	s10 =	sadd.s32 $0x32E00, s0;
	s21 =	sor.u32 $0x70, s18;
	s5 =	smul.u32 $0x2800, s4  }
0xc: {  	_ =	strace $0x80000047;
	s22 =	smul.u32 $0x500, s21;
	p0 =	sgt.u32 s21, $0x7C  }
0xd: {  	s4 =	sadd.s32 $0x1C00, s0;
	s16 =	sshrl.u32 s14, $0x1;
	s5 =	sshrl.u32 s5, $0x3  }
0xe: {  	s14 =	ssub.s32 s14, s16;
	s7 =	sadd.s32 s5, s0;
	s0 =	sadd.s32 s6, s0  }
0xf: {  	s1 =	sadd.s32 s1, s26;
	s7 =	sadd.s32 $0x28E00, s7;
	s0 =	sadd.s32 $0x3CE00, s0  }
0x10: {  	s28 =	sadd.s32 s10, s5;
	[dreg:$0x3] =	wrdreg s7;
	s8 =	sadd.s32 s0, s8  }
0x11: {  	s5 =	sor.u32 $0x180, s1;
	s11 =	sadd.s32 s0, s11;
	[dreg:$0x4] =	wrdreg s8  }
0x12: {  	s1 =	sor.u32 $0x100, s1;
	s6 =	sadd.s32 s0, s24;
	[dreg:$0x5] =	wrdreg s11  }
0x13: {  	s23 =	sadd.s32 s0, s15;
	s7 =	smul.u32 $0xA000, s12;
	[dreg:$0x6] =	wrdreg s6  }
0x14: {  	s24 =	sadd.s32 s0, s17;
	s12 =	smul.u32 $0xA000, s18;
	[dreg:$0x7] =	wrdreg s23  }
0x15: {  	s25 =	sadd.s32 s0, s25;
	[dreg:$0x8] =	wrdreg s24;
	s6 =	smul.u32 $0xA000, s9  }
0x16: {  	s8 =	sor.u32 $0x60, s18;
	[dreg:$0x9] =	wrdreg s25;
	s23 =	smul.u32 $0xA000, s19  }
0x17: {  	s9 =	sshrl.u32 s1, $0x3;
	s11 =	sshll.u32 s18, $0xB;
	s24 =	smul.u32 $0xA000, s20  }
0x18: {  	s18 =	smax.u32 s14, $0x1;
	s25 =	smul.u32 $0xA000, s21;
	s20 =	smov.u32 s28  }
0x19: {  	s28 =	sadd.s32 $0x10, s28;
	s16 =	smul.u32 $0x500, s8;
	s17 =	sadd.s32 s11, s2  }
0x1a: {  	[dreg:$0xc] =	wrdreg s18;
	s1 =	sshrl.u32 s12, $0x2;
	s8 =	smul.u32 $0xA000, s8  }
0x1b: {  	s11 =	simm.s32 $0x0;
	s1 =	sadd.s32 s1, s2;
	s26 =	sadd.s32 s0, s16  }
0x1c: {  	s0 =	sadd.s32 s0, s22;
	s16 =	sadd.s32 s9, s10;
	s22 =	smul.u32 $0xA000, s13  }
0x1d: {  	s9 =	sshrl.u32 s24, $0x2;
	s8 =	sshrl.u32 s8, $0x2;
	[dreg:$0xa] =	wrdreg s26  }
0x1e: {  	s1 =	sshrl.u32 s1, $0x3;
	[dreg:$0xb] =	wrdreg s0;
	s0 =	sshrl.u32 s5, $0x3  }
0x1f: {  	s5 =	sshrl.u32 s6, $0x2;
	s6 =	sshrl.u32 s7, $0x2;
	s7 =	sshrl.u32 s23, $0x2  }
0x20: {  	s9 =	sadd.s32 s9, s2;
	s8 =	sadd.s32 s8, s2;
	[dreg:$0xd] =	wrdreg s1  }
0x21: {  	s1 =	simm.s32 $0x2900;
	s15 =	sadd.s32 s0, s10;
	s5 =	sadd.s32 s5, s2  }
0x22: {  	s0 =	sshrl.u32 s22, $0x2;
	s6 =	sadd.s32 s6, s2;
	s7 =	sadd.s32 s7, s2  }
0x23: {  	s10 =	sshrl.u32 s25, $0x2;
	s24 =	sshrl.u32 s9, $0x3;
	s25 =	sshrl.u32 s8, $0x3  }
0x24: {  	s8 =	simm.s32 $0x1;
	s9 =	simm.s32 $0x3;
	s0 =	sadd.s32 s0, s2  }
0x25: {  	s10 =	sadd.s32 s10, s2;
	s26 =	sshrl.u32 s5, $0x3;
	s21 =	sshrl.u32 s6, $0x3  }
0x26: {  	s23 =	sshrl.u32 s7, $0x3;
	s5 =	simm.s32 $0x6900;
	s7 =	simm.s32 $0xA900  }
0x27: {  	s6 =	simm.s32 $0x2;
	[dreg:$0xe] =	wrdreg s26;
	s22 =	sshrl.u32 s0, $0x3  }
0x28: {  	v0 =	vimm.f32 $0.0e+00;
	s26 =	sshrl.u32 @!p0 s10, $0x3;
	s0 =	simm.s32 $0x2880;
	s10 =	simm.s32 $0x4  }
.LBB2_1:
0x29: {  	s12 =	rddreg [dreg:$0x3]  }
0x2a: {  	[tilespmem:s3], [sflag:$0x5] =	stream.linear.gather [hbm4b:s12+s3], $0x2800, $0x38;
	[tilespmem:$0x1F100] =	vst v63  }
0x2b: {  	_ =	swait.ge [sflag:s29], $0x2800  }
0x2c: {  	[sflag:s29] =	ssyncset.done $0x0  }
0x2d: {  	[sflag:s29] =	ssyncadd.s32 $0xFFFFD800  }
0x2e: {  	[tilespmem:s30], [sflag:$0x1] =	stream.linear.gather [hbm4b:s20+s3], $0x80, $0x38;
	[tilespmem:$0x1F100] =	vst v63  }
0x2f: {  	_ = 	snop  }
0x30: {  	[tilespmem:s1], [sflag:$0x3] =	stream.indirect.gather [hbm4b:s4+s31], $0x80, s3, s31, $0xb8;
	[tilespmem:$0x1F100] =	vst v63  }
0x31: {  	_ = 	snop  }
0x32: {  	[tilespmem:s0], [sflag:$0x2] =	stream.linear.gather [hbm4b:s28+s3], $0x80, $0x38;
	[tilespmem:$0x1F100] =	vst v63  }
0x33: {  	s13 =	simm.s32 $0x200;
	s12 =	simm.s32 $0x0  }
0x34: {  	[tilespmem:s5], [sflag:$0x4] =	stream.indirect.gather [hbm4b:s4+s31], $0x80, s31, s31, $0xb8;
	[tilespmem:$0x1F100] =	vst v63  }
.LBB2_2:
0x35: {  	p1 =	sne.s32 s13, $0x1E00;
	[tilespmem:s12+$0xA970] =	vst v0  }
0x36: {  	[tilespmem:s12+$0xA900] =	vst v0  }
0x37: {  	[tilespmem:s12+$0xA910] =	vst v0  }
.Ltmp0:
0x38: {  	[tilespmem:s12+$0xA920] =	vst v0;
	(pc) =	sbr.rel @p1 .LBB2_2-.Ltmp0, $4  }
0x39: {  	[tilespmem:s12+$0xA930] =	vst v0  }
0x3a: {  	[tilespmem:s12+$0xA940] =	vst v0  }
0x3b: {  	[tilespmem:s12+$0xA950] =	vst v0  }
0x3c: {  	[tilespmem:s12+$0xA960] =	vst v0;
	s12 =	sshra.s32 s13, $0x2;
	s13 =	sadd.s32 $0x200, s13  }
0x3d: {  	[tilespmem:s12+$0xA970] =	vst v0  }
0x3e: {  	[tilespmem:s12+$0xA900] =	vst v0  }
0x3f: {  	[tilespmem:s12+$0xA910] =	vst v0  }
0x40: {  	[tilespmem:s12+$0xA920] =	vst v0  }
0x41: {  	[tilespmem:s12+$0xA930] =	vst v0  }
0x42: {  	[tilespmem:s12+$0xA940] =	vst v0  }
0x43: {  	[tilespmem:s12+$0xA950] =	vst v0  }
0x44: {  	[tilespmem:s12+$0xA960] =	vst v0;
	s19 =	sadd.s32 $0x0, s17  }
0x45: {  	[spmem:s19] =	stream.linear.scatter [tilespmem:s7], [sflag:$0x5], $0x800, $0x38;
	[tilespmem:$0x1F100] =	vst v63  }
0x46: {  	s12 =	simm.s32 $0x20000;
	_ =	swait.ge [sflag:s29], $0x800  }
.LBB2_4:
0x47: {  	s13 =	sshra.s32 s12, $0x2;
	[sflag:s29] =	ssyncset.done $0x0;
	p1 =	sne.s32 s12, $0x4E0000  }
.Ltmp1:
0x48: {  	s13 =	sadd.s32 s13, s17;
	[sflag:s29] =	ssyncadd.s32 $0xFFFFF800;
	(pc) =	sbr.rel @p1 .LBB2_4-.Ltmp1, $3  }
0x49: {  	[spmem:s13] =	stream.linear.scatter [tilespmem:s7], [sflag:$0x5], $0x800, $0x38;
	[tilespmem:$0x1F100] =	vst v63  }
0x4a: {  	s12 =	sadd.s32 $0x20000, s12;
	_ =	sdelay $0x1  }
0x4b: {  	_ =	swait.ge [sflag:s29], $0x800  }
0x4c: {  	[sflag:s29] =	ssyncset.done $0x0  }
0x4d: {  	[sflag:s29] =	ssyncadd.s32 $0xFFFFF800  }
0x4e: {  	[bflag:$0x0] =	sbarrier.arrive $0xFFFF  }
0x4f: {  	_ =	swait.ge [sflag:s8], $0x80  }
0x50: {  	[sflag:s8] =	ssyncset.done $0x0  }
0x51: {  	[sflag:s8] =	ssyncadd.s32 $0xFFFFFF80  }
0x52: {  	_ =	swait.ge [sflag:s9], $0x4000  }
0x53: {  	[sflag:s9] =	ssyncset.done $0x0  }
0x54: {  	[sflag:s9] =	ssyncadd.s32 $0xFFFFC000  }
0x55: {  	[spmem:s2] =	stream.indirect.scatter.add.f32 [tilespmem:s1], [sflag:$0x5], $0x80, s30, s31, $0xb8;
	[tilespmem:$0x1F100] =	vst v63  }
0x56: {  	_ =	swait.ge [sflag:s29], $0x4000  }
0x57: {  	[sflag:s29] =	ssyncset.done $0x0  }
0x58: {  	s12 =	sadd.s32 $0x0, s16;
	[sflag:s29] =	ssyncadd.s32 $0xFFFFC000  }
0x59: {  	[tilespmem:s30], [sflag:$0x1] =	stream.linear.gather [hbm4b:s12+s3], $0x80, $0x38;
	[tilespmem:$0x1F100] =	vst v63  }
0x5a: {  	s18 =	simm.s32 $0x100  }
0x5b: {  	[tilespmem:s1], [sflag:$0x3] =	stream.indirect.gather [hbm4b:s4+s31], $0x80, s18, s31, $0xb8;
	[tilespmem:$0x1F100] =	vst v63  }
0x5c: {  	_ =	swait.ge [sflag:s6], $0x80  }
0x5d: {  	[sflag:s6] =	ssyncset.done $0x0  }
0x5e: {  	[sflag:s6] =	ssyncadd.s32 $0xFFFFFF80  }
0x5f: {  	_ =	swait.ge [sflag:s10], $0x4000  }
0x60: {  	[sflag:s10] =	ssyncset.done $0x0  }
0x61: {  	[sflag:s10] =	ssyncadd.s32 $0xFFFFC000  }
0x62: {  	[spmem:s2] =	stream.indirect.scatter.add.f32 [tilespmem:s5], [sflag:$0x5], $0x80, s0, s31, $0xb8;
	[tilespmem:$0x1F100] =	vst v63  }
0x63: {  	_ =	swait.ge [sflag:s29], $0x4000  }
0x64: {  	s19 =	sadd.s32 $0x0, s15;
	s13 =	simm.s32 $0x20;
	[sflag:s29] =	ssyncset.done $0x0  }
0x65: {  	s14 =	simm.s32 $0x280;
	s12 =	simm.s32 $0x180;
	[sflag:s29] =	ssyncadd.s32 $0xFFFFC000  }
0x66: {  	[tilespmem:s0], [sflag:$0x2] =	stream.linear.gather [hbm4b:s19+s3], $0x80, $0x38;
	[tilespmem:$0x1F100] =	vst v63  }
.LBB2_6:
0x67: {  	[tilespmem:s5], [sflag:$0x4] =	stream.indirect.gather [hbm4b:s4+s31], $0x80, s12, s31, $0xb8;
	[tilespmem:$0x1F100] =	vst v63  }
0x68: {  	s18 =	smov.u32 s13;
	s12 =	smov.u32 s14  }
0x69: {  	p1 =	sne.s32 s13, $0x4C0;
	s13 =	sadd.s32 $0x20, s13;
	_ =	swait.ge [sflag:s8], $0x80  }
0x6a: {  	[sflag:s8] =	ssyncset.done $0x0  }
0x6b: {  	[sflag:s8] =	ssyncadd.s32 $0xFFFFFF80  }
0x6c: {  	_ =	swait.ge [sflag:s9], $0x4000  }
0x6d: {  	[sflag:s9] =	ssyncset.done $0x0  }
0x6e: {  	[sflag:s9] =	ssyncadd.s32 $0xFFFFC000  }
0x6f: {  	[spmem:s2] =	stream.indirect.scatter.add.f32 [tilespmem:s1], [sflag:$0x5], $0x80, s30, s31, $0xb8;
	[tilespmem:$0x1F100] =	vst v63  }
0x70: {  	_ =	swait.ge [sflag:s29], $0x4000  }
0x71: {  	[sflag:s29] =	ssyncset.done $0x0  }
0x72: {  	s19 =	sadd.s32 s18, s16;
	[sflag:s29] =	ssyncadd.s32 $0xFFFFC000  }
0x73: {  	[tilespmem:s30], [sflag:$0x1] =	stream.linear.gather [hbm4b:s19+s3], $0x80, $0x38;
	[tilespmem:$0x1F100] =	vst v63  }
0x74: {  	s19 =	sadd.s32 $0xFFFFFF80, s14  }
0x75: {  	[tilespmem:s1], [sflag:$0x3] =	stream.indirect.gather [hbm4b:s4+s31], $0x80, s19, s31, $0xb8;
	[tilespmem:$0x1F100] =	vst v63  }
0x76: {  	_ =	swait.ge [sflag:s6], $0x80  }
0x77: {  	[sflag:s6] =	ssyncset.done $0x0  }
0x78: {  	[sflag:s6] =	ssyncadd.s32 $0xFFFFFF80  }
0x79: {  	_ =	swait.ge [sflag:s10], $0x4000  }
0x7a: {  	[sflag:s10] =	ssyncset.done $0x0  }
0x7b: {  	[sflag:s10] =	ssyncadd.s32 $0xFFFFC000  }
0x7c: {  	[spmem:s2] =	stream.indirect.scatter.add.f32 [tilespmem:s5], [sflag:$0x5], $0x80, s0, s31, $0xb8;
	[tilespmem:$0x1F100] =	vst v63  }
.Ltmp2:
0x7d: {  	_ =	swait.ge [sflag:s29], $0x4000;
	(pc) =	sbr.rel @p1 .LBB2_6-.Ltmp2, $4  }
0x7e: {  	[sflag:s29] =	ssyncset.done $0x0  }
0x7f: {  	s18 =	sadd.s32 s18, s15;
	[sflag:s29] =	ssyncadd.s32 $0xFFFFC000  }
0x80: {  	[tilespmem:s0], [sflag:$0x2] =	stream.linear.gather [hbm4b:s18+s3], $0x80, $0x38;
	[tilespmem:$0x1F100] =	vst v63  }
0x81: {  	s14 =	sadd.s32 $0x100, s14  }
0x82: {  	[tilespmem:s5], [sflag:$0x4] =	stream.indirect.gather [hbm4b:s4+s31], $0x80, s12, s31, $0xb8;
	[tilespmem:$0x1F100] =	vst v63  }
0x83: {  	_ =	swait.ge [sflag:s8], $0x80  }
0x84: {  	[sflag:s8] =	ssyncset.done $0x0  }
0x85: {  	[sflag:s8] =	ssyncadd.s32 $0xFFFFFF80  }
0x86: {  	_ =	swait.ge [sflag:s9], $0x4000  }
0x87: {  	[sflag:s9] =	ssyncset.done $0x0  }
0x88: {  	[sflag:s9] =	ssyncadd.s32 $0xFFFFC000  }
0x89: {  	[spmem:s2] =	stream.indirect.scatter.add.f32 [tilespmem:s1], [sflag:$0x5], $0x80, s30, s31, $0xb8;
	[tilespmem:$0x1F100] =	vst v63  }
0x8a: {  	_ =	swait.ge [sflag:s29], $0x4000  }
0x8b: {  	[sflag:s29] =	ssyncset.done $0x0  }
0x8c: {  	[sflag:s29] =	ssyncadd.s32 $0xFFFFC000  }
0x8d: {  	_ =	swait.ge [sflag:s6], $0x80  }
0x8e: {  	[sflag:s6] =	ssyncset.done $0x0  }
0x8f: {  	[sflag:s6] =	ssyncadd.s32 $0xFFFFFF80  }
0x90: {  	_ =	swait.ge [sflag:s10], $0x4000  }
0x91: {  	[sflag:s10] =	ssyncset.done $0x0  }
0x92: {  	[sflag:s10] =	ssyncadd.s32 $0xFFFFC000  }
0x93: {  	[spmem:s2] =	stream.indirect.scatter.add.f32 [tilespmem:s5], [sflag:$0x5], $0x80, s0, s31, $0xb8;
	[tilespmem:$0x1F100] =	vst v63  }
0x94: {  	_ =	swait.ge [sflag:s29], $0x4000  }
0x95: {  	[sflag:s29] =	ssyncset.done $0x0  }
0x96: {  	[sflag:s29] =	ssyncadd.s32 $0xFFFFC000  }
0x97: {  	s14 =	stileid.u32;
	[bflag:$0x0] =	sbarrier.arrive $0xFFFF  }
0x98: {  	s12 =	sshll.u32 s14, $0x6;
	s13 =	rddreg [dreg:$0x4]  }
0x99: {  	s12 =	sor.u32 $0x1C05, s12;
	s14 =	rddreg [dreg:$0xd]  }
0x9a: {  	[hbm:s13], [sflag:s12] =	dma.local [spmem:s14], $0x500  }
0x9b: {  	_ =	swait.ge [sflag:s29], $0x500  }
0x9c: {  	[sflag:s29] =	ssyncset.done $0x0;
	s18 =	rddreg [dreg:$0x5]  }
0x9d: {  	s19 =	rddreg [dreg:$0xe];
	[sflag:s29] =	ssyncadd.s32 $0xFFFFFB00  }
0x9e: {  	[hbm:s18], [sflag:s12] =	dma.local [spmem:s19], $0x500  }
0x9f: {  	_ =	swait.ge [sflag:s29], $0x500  }
0xa0: {  	[sflag:s29] =	ssyncset.done $0x0  }
0xa1: {  	s14 =	rddreg [dreg:$0x6];
	[sflag:s29] =	ssyncadd.s32 $0xFFFFFB00  }
0xa2: {  	[hbm:s14], [sflag:s12] =	dma.local [spmem:s21], $0x500  }
0xa3: {  	_ =	swait.ge [sflag:s29], $0x500  }
0xa4: {  	[sflag:s29] =	ssyncset.done $0x0  }
0xa5: {  	s18 =	rddreg [dreg:$0x7];
	[sflag:s29] =	ssyncadd.s32 $0xFFFFFB00  }
0xa6: {  	[hbm:s18], [sflag:s12] =	dma.local [spmem:s22], $0x500  }
0xa7: {  	_ =	swait.ge [sflag:s29], $0x500  }
0xa8: {  	[sflag:s29] =	ssyncset.done $0x0  }
0xa9: {  	s19 =	rddreg [dreg:$0x8];
	[sflag:s29] =	ssyncadd.s32 $0xFFFFFB00  }
0xaa: {  	[hbm:s19], [sflag:s12] =	dma.local [spmem:s23], $0x500  }
0xab: {  	_ =	swait.ge [sflag:s29], $0x500  }
0xac: {  	[sflag:s29] =	ssyncset.done $0x0  }
0xad: {  	s14 =	rddreg [dreg:$0x9];
	[sflag:s29] =	ssyncadd.s32 $0xFFFFFB00  }
0xae: {  	[hbm:s14], [sflag:s12] =	dma.local [spmem:s24], $0x500  }
0xaf: {  	_ =	swait.ge [sflag:s29], $0x500  }
0xb0: {  	[sflag:s29] =	ssyncset.done $0x0  }
0xb1: {  	s18 =	rddreg [dreg:$0xa];
	[sflag:s29] =	ssyncadd.s32 $0xFFFFFB00  }
0xb2: {  	[hbm:s18], [sflag:s12] =	dma.local [spmem:s25], $0x500  }
0xb3: {  	_ =	swait.ge [sflag:s29], $0x500  }
0xb4: {  	[sflag:s29] =	ssyncset.done $0x0  }
0xb5: {  	s13 =	rddreg [dreg:$0xb];
	[sflag:s29] =	ssyncadd.s32 $0xFFFFFB00  }
0xb6: {  	[hbm:s13], [sflag:s12] =	dma.local @!p0 [spmem:s26], $0x500  }
0xb7: {  	s12 =	simm.s32 @!p0 $0x5  }
0xb8: {  	_ =	swait.ge @!p0 [sflag:s12], $0x500  }
0xb9: {  	s11 =	sadd.s32 $0x1, s11;
	s19 =	rddreg [dreg:$0xc]  }
0xba: {  	p1 =	sne.s32 s11, s19  }
.Ltmp3:
0xbb: {  	_ = 	snop;
	(pc) =	sbr.rel @p1 .LBB2_1-.Ltmp3, $3  }
0xbc: {  	_ =	sdelay $0x1  }
0xbd: {  	[sflag:s12] =	ssyncset.done @!p0 $0x0  }
0xbe: {  	[sflag:s12] =	ssyncadd.s32 @!p0 $0xFFFFFB00  }
0xbf: {  	_ =	sfence.sel $0x180000  }
0xc0: {  	[bflag:$0x0] =	sbarrier.arrive $0xFFFF  }
0xc1: {  	_ =	strace $0x90000047  }
0xc2: {  	s0 =	stileid.u32;
	[bflag:$0x2] =	sbarrier.arrive $0xFFFF  }
0xc3: {  	p0 =	sne.s32 s0, $0x0;
	s0 =	rddreg [dreg:$0x2]  }
0xc4: {  	s0 =	sadd.s32 @!p0 $0x100000, s0  }
0xc5: {  	[sflag:s0] =	ssyncadd.tile.s32 @!p0 $0x1;
	_ =	shalt  }
.Lfunc_end2:
_tile_overlayer_lowered:
.L_overlay_start_2:
0xc6: {  	(tag) =	ssettag $0x2  }
0xc7: {  	s0 =	rddreg [dreg:$0x0];
	s2 =	stileid.u32  }
0xc8: {  	s1 =	rddreg [dreg:$0x1];
	p0 =	sne.s32 s2, $0x0  }
0xc9: {  	s3 =	rddreg [dreg:$0x2];
	[bflag:$0x3] =	sbarrier.arrive $0xFFFF;
	s2 =	simm.s32 @!p0 $0x1C05  }
0xca: {  	[timem:s3], [sflag:s2] =	dma.local @!p0 [hbm:s0], s1  }
0xcb: {  	s0 =	simm.s32 @!p0 $0x5  }
0xcc: {  	_ =	swait.ge @!p0 [sflag:s0], s1  }
0xcd: {  	s1 =	ssub.s32 @!p0 $0x0, s1;
	[sflag:s0] =	ssyncset.done @!p0 $0x0  }
0xce: {  	[sflag:s0] =	ssyncadd.s32 @!p0 s1  }
0xcf: {  	[bflag:$0x3] =	sbarrier.arrive $0xFFFF  }
0xd0: {  	_ =	shalt  }

</sc_bundles>
